<compile_context>
chip_gen: v7x
topology: tpu7x:2x2x1
jax: 0.10.2.dev20260603
libtpu: 0.0.44.dev20260713+nightly
codegen_flags: <defaults>
</compile_context>

<pallas_src>
import jax
import jax.numpy as jnp
from jax.experimental import pallas as pl
from jax.experimental.pallas import tpu as pltpu
from jax.experimental.pallas import tpu_sc as plsc

_V = 100000
_D = 128
_B = 128
_STRIDE = 781


def _gather_body(table_hbm, out_hbm, sem):
    for i in range(_B):
        pltpu.make_async_copy(
            table_hbm.at[pl.ds(i * _STRIDE, 1)],
            out_hbm.at[pl.ds(i, 1)],
            sem,
        ).start()


def kernel(input):
    x = input.reshape(_V, _D)
    mesh = plsc.ScalarSubcoreMesh(axis_name="c", num_cores=1)
    k = pl.kernel(
        _gather_body,
        mesh=mesh,
        out_type=jax.ShapeDtypeStruct((_B, _D), jnp.float32),
        scratch_types=[
            pltpu.SemaphoreType.DMA,
        ],
    )
    return k(x)

# --- scband reference (transcript-rebuilt; emitter-appended) ---
"""Pipeline reference for scband-gather-test-66778151518337 (READ-ONLY COPY).

The authoritative reference and input builder live on the scoring server;
editing this copy changes nothing except your own understanding.
"""

import jax, jax.numpy as jnp
import numpy as np


def setup_inputs(seed: int = 0) -> dict:
    key = jax.random.key(seed)
    inp = jax.random.normal(key, (1, 100000, 128), dtype=jnp.float32)
    return {"input": inp}


def reference(input):
    # torch: input = torch.squeeze(input, 0)
    x = jnp.squeeze(input, 0)
    # config indices: multiples of 781, 128 of them; axis = 0
    idx = jnp.arange(128, dtype=jnp.int32) * 781
    # torch: input[array_idx] == input[indices, :] -> gather rows along axis 0
    out = jnp.take(x, idx, axis=0)
    return out

if __name__ == "__main__":
    import jax
    _d = setup_inputs()
    print(jax.jit(kernel)(*tuple(_d.values())))

</pallas_src>

<mosaic_0001>
#map = affine_map<(d0) -> (0, 0)>
module attributes {stable_mosaic.version = 14 : i64} {
  func.func @_gather_body(%arg0: i32, %arg1: memref<100000x128xf32, #tpu.memory_space<hbm>>, %arg2: memref<128x128xf32, #tpu.memory_space<hbm>>, %arg3: memref<!tpu.dma_semaphore, #tpu.memory_space<semaphore_mem>>) attributes {dimension_semantics = [#tpu.dimension_semantics<core_parallel>], iteration_bounds = array<i64: 1>, scalar_prefetch = 0 : i64, scratch_operands = 1 : i64, tpu.core_type = #tpu.core_type<sc_scalar_subcore>, window_params = [{transform_indices = #map}, {transform_indices = #map}]} {
    %dma_start3A = arith.constant 0 : i32
    %dma_start3A_0 = arith.constant 0 : i32
    %dma_start3A_1 = tpu.memref_slice %arg2[%dma_start3A, %dma_start3A_0] : memref<128x128xf32, #tpu.memory_space<hbm>> -> memref<1x128xf32, #tpu.memory_space<hbm>>
    %dma_start3A_2 = arith.constant 0 : i32
    %dma_start3A_3 = arith.constant 0 : i32
    %dma_start3A_4 = tpu.memref_slice %arg1[%dma_start3A_2, %dma_start3A_3] : memref<100000x128xf32, #tpu.memory_space<hbm>> -> memref<1x128xf32, #tpu.memory_space<hbm>>
    tpu.enqueue_dma source(%dma_start3A_4 : memref<1x128xf32, #tpu.memory_space<hbm>>) target(%dma_start3A_1 : memref<1x128xf32, #tpu.memory_space<hbm>>) target_semaphore(%arg3 : memref<!tpu.dma_semaphore, #tpu.memory_space<semaphore_mem>>)
    %dma_start3A_5 = arith.constant 1 : i32
    %dma_start3A_6 = arith.constant 0 : i32
    %dma_start3A_7 = tpu.memref_slice %arg2[%dma_start3A_5, %dma_start3A_6] : memref<128x128xf32, #tpu.memory_space<hbm>> -> memref<1x128xf32, #tpu.memory_space<hbm>>
    %dma_start3A_8 = arith.constant 781 : i32
    %dma_start3A_9 = arith.constant 0 : i32
    %dma_start3A_10 = tpu.memref_slice %arg1[%dma_start3A_8, %dma_start3A_9] : memref<100000x128xf32, #tpu.memory_space<hbm>> -> memref<1x128xf32, #tpu.memory_space<hbm>>
    tpu.enqueue_dma source(%dma_start3A_10 : memref<1x128xf32, #tpu.memory_space<hbm>>) target(%dma_start3A_7 : memref<1x128xf32, #tpu.memory_space<hbm>>) target_semaphore(%arg3 : memref<!tpu.dma_semaphore, #tpu.memory_space<semaphore_mem>>)
    %dma_start3A_11 = arith.constant 2 : i32
    %dma_start3A_12 = arith.constant 0 : i32
    %dma_start3A_13 = tpu.memref_slice %arg2[%dma_start3A_11, %dma_start3A_12] : memref<128x128xf32, #tpu.memory_space<hbm>> -> memref<1x128xf32, #tpu.memory_space<hbm>>
    %dma_start3A_14 = arith.constant 1562 : i32
    %dma_start3A_15 = arith.constant 0 : i32
    %dma_start3A_16 = tpu.memref_slice %arg1[%dma_start3A_14, %dma_start3A_15] : memref<100000x128xf32, #tpu.memory_space<hbm>> -> memref<1x128xf32, #tpu.memory_space<hbm>>
    tpu.enqueue_dma source(%dma_start3A_16 : memref<1x128xf32, #tpu.memory_space<hbm>>) target(%dma_start3A_13 : memref<1x128xf32, #tpu.memory_space<hbm>>) target_semaphore(%arg3 : memref<!tpu.dma_semaphore, #tpu.memory_space<semaphore_mem>>)
    %dma_start3A_17 = arith.constant 3 : i32
    %dma_start3A_18 = arith.constant 0 : i32
    %dma_start3A_19 = tpu.memref_slice %arg2[%dma_start3A_17, %dma_start3A_18] : memref<128x128xf32, #tpu.memory_space<hbm>> -> memref<1x128xf32, #tpu.memory_space<hbm>>
    %dma_start3A_20 = arith.constant 2343 : i32
    %dma_start3A_21 = arith.constant 0 : i32
    %dma_start3A_22 = tpu.memref_slice %arg1[%dma_start3A_20, %dma_start3A_21] : memref<100000x128xf32, #tpu.memory_space<hbm>> -> memref<1x128xf32, #tpu.memory_space<hbm>>
    tpu.enqueue_dma source(%dma_start3A_22 : memref<1x128xf32, #tpu.memory_space<hbm>>) target(%dma_start3A_19 : memref<1x128xf32, #tpu.memory_space<hbm>>) target_semaphore(%arg3 : memref<!tpu.dma_semaphore, #tpu.memory_space<semaphore_mem>>)
    %dma_start3A_23 = arith.constant 4 : i32
    %dma_start3A_24 = arith.constant 0 : i32
    %dma_start3A_25 = tpu.memref_slice %arg2[%dma_start3A_23, %dma_start3A_24] : memref<128x128xf32, #tpu.memory_space<hbm>> -> memref<1x128xf32, #tpu.memory_space<hbm>>
    %dma_start3A_26 = arith.constant 3124 : i32
    %dma_start3A_27 = arith.constant 0 : i32
    %dma_start3A_28 = tpu.memref_slice %arg1[%dma_start3A_26, %dma_start3A_27] : memref<100000x128xf32, #tpu.memory_space<hbm>> -> memref<1x128xf32, #tpu.memory_space<hbm>>
    tpu.enqueue_dma source(%dma_start3A_28 : memref<1x128xf32, #tpu.memory_space<hbm>>) target(%dma_start3A_25 : memref<1x128xf32, #tpu.memory_space<hbm>>) target_semaphore(%arg3 : memref<!tpu.dma_semaphore, #tpu.memory_space<semaphore_mem>>)
    %dma_start3A_29 = arith.constant 5 : i32
    %dma_start3A_30 = arith.constant 0 : i32
    %dma_start3A_31 = tpu.memref_slice %arg2[%dma_start3A_29, %dma_start3A_30] : memref<128x128xf32, #tpu.memory_space<hbm>> -> memref<1x128xf32, #tpu.memory_space<hbm>>
    %dma_start3A_32 = arith.constant 3905 : i32
    %dma_start3A_33 = arith.constant 0 : i32
    %dma_start3A_34 = tpu.memref_slice %arg1[%dma_start3A_32, %dma_start3A_33] : memref<100000x128xf32, #tpu.memory_space<hbm>> -> memref<1x128xf32, #tpu.memory_space<hbm>>
    tpu.enqueue_dma source(%dma_start3A_34 : memref<1x128xf32, #tpu.memory_space<hbm>>) target(%dma_start3A_31 : memref<1x128xf32, #tpu.memory_space<hbm>>) target_semaphore(%arg3 : memref<!tpu.dma_semaphore, #tpu.memory_space<semaphore_mem>>)
    %dma_start3A_35 = arith.constant 6 : i32
    %dma_start3A_36 = arith.constant 0 : i32
    %dma_start3A_37 = tpu.memref_slice %arg2[%dma_start3A_35, %dma_start3A_36] : memref<128x128xf32, #tpu.memory_space<hbm>> -> memref<1x128xf32, #tpu.memory_space<hbm>>
    %dma_start3A_38 = arith.constant 4686 : i32
    %dma_start3A_39 = arith.constant 0 : i32
    %dma_start3A_40 = tpu.memref_slice %arg1[%dma_start3A_38, %dma_start3A_39] : memref<100000x128xf32, #tpu.memory_space<hbm>> -> memref<1x128xf32, #tpu.memory_space<hbm>>
    tpu.enqueue_dma source(%dma_start3A_40 : memref<1x128xf32, #tpu.memory_space<hbm>>) target(%dma_start3A_37 : memref<1x128xf32, #tpu.memory_space<hbm>>) target_semaphore(%arg3 : memref<!tpu.dma_semaphore, #tpu.memory_space<semaphore_mem>>)
    %dma_start3A_41 = arith.constant 7 : i32
    %dma_start3A_42 = arith.constant 0 : i32
    %dma_start3A_43 = tpu.memref_slice %arg2[%dma_start3A_41, %dma_start3A_42] : memref<128x128xf32, #tpu.memory_space<hbm>> -> memref<1x128xf32, #tpu.memory_space<hbm>>
    %dma_start3A_44 = arith.constant 5467 : i32
    %dma_start3A_45 = arith.constant 0 : i32
    %dma_start3A_46 = tpu.memref_slice %arg1[%dma_start3A_44, %dma_start3A_45] : memref<100000x128xf32, #tpu.memory_space<hbm>> -> memref<1x128xf32, #tpu.memory_space<hbm>>
    tpu.enqueue_dma source(%dma_start3A_46 : memref<1x128xf32, #tpu.memory_space<hbm>>) target(%dma_start3A_43 : memref<1x128xf32, #tpu.memory_space<hbm>>) target_semaphore(%arg3 : memref<!tpu.dma_semaphore, #tpu.memory_space<semaphore_mem>>)
    %dma_start3A_47 = arith.constant 8 : i32
    %dma_start3A_48 = arith.constant 0 : i32
    %dma_start3A_49 = tpu.memref_slice %arg2[%dma_start3A_47, %dma_start3A_48] : memref<128x128xf32, #tpu.memory_space<hbm>> -> memref<1x128xf32, #tpu.memory_space<hbm>>
    %dma_start3A_50 = arith.constant 6248 : i32
    %dma_start3A_51 = arith.constant 0 : i32
    %dma_start3A_52 = tpu.memref_slice %arg1[%dma_start3A_50, %dma_start3A_51] : memref<100000x128xf32, #tpu.memory_space<hbm>> -> memref<1x128xf32, #tpu.memory_space<hbm>>
    tpu.enqueue_dma source(%dma_start3A_52 : memref<1x128xf32, #tpu.memory_space<hbm>>) target(%dma_start3A_49 : memref<1x128xf32, #tpu.memory_space<hbm>>) target_semaphore(%arg3 : memref<!tpu.dma_semaphore, #tpu.memory_space<semaphore_mem>>)
    %dma_start3A_53 = arith.constant 9 : i32
    %dma_start3A_54 = arith.constant 0 : i32
    %dma_start3A_55 = tpu.memref_slice %arg2[%dma_start3A_53, %dma_start3A_54] : memref<128x128xf32, #tpu.memory_space<hbm>> -> memref<1x128xf32, #tpu.memory_space<hbm>>
    %dma_start3A_56 = arith.constant 7029 : i32
    %dma_start3A_57 = arith.constant 0 : i32
    %dma_start3A_58 = tpu.memref_slice %arg1[%dma_start3A_56, %dma_start3A_57] : memref<100000x128xf32, #tpu.memory_space<hbm>> -> memref<1x128xf32, #tpu.memory_space<hbm>>
    tpu.enqueue_dma source(%dma_start3A_58 : memref<1x128xf32, #tpu.memory_space<hbm>>) target(%dma_start3A_55 : memref<1x128xf32, #tpu.memory_space<hbm>>) target_semaphore(%arg3 : memref<!tpu.dma_semaphore, #tpu.memory_space<semaphore_mem>>)
    %dma_start3A_59 = arith.constant 10 : i32
    %dma_start3A_60 = arith.constant 0 : i32
    %dma_start3A_61 = tpu.memref_slice %arg2[%dma_start3A_59, %dma_start3A_60] : memref<128x128xf32, #tpu.memory_space<hbm>> -> memref<1x128xf32, #tpu.memory_space<hbm>>
    %dma_start3A_62 = arith.constant 7810 : i32
    %dma_start3A_63 = arith.constant 0 : i32
    %dma_start3A_64 = tpu.memref_slice %arg1[%dma_start3A_62, %dma_start3A_63] : memref<100000x128xf32, #tpu.memory_space<hbm>> -> memref<1x128xf32, #tpu.memory_space<hbm>>
    tpu.enqueue_dma source(%dma_start3A_64 : memref<1x128xf32, #tpu.memory_space<hbm>>) target(%dma_start3A_61 : memref<1x128xf32, #tpu.memory_space<hbm>>) target_semaphore(%arg3 : memref<!tpu.dma_semaphore, #tpu.memory_space<semaphore_mem>>)
    %dma_start3A_65 = arith.constant 11 : i32
    %dma_start3A_66 = arith.constant 0 : i32
    %dma_start3A_67 = tpu.memref_slice %arg2[%dma_start3A_65, %dma_start3A_66] : memref<128x128xf32, #tpu.memory_space<hbm>> -> memref<1x128xf32, #tpu.memory_space<hbm>>
    %dma_start3A_68 = arith.constant 8591 : i32
    %dma_start3A_69 = arith.constant 0 : i32
    %dma_start3A_70 = tpu.memref_slice %arg1[%dma_start3A_68, %dma_start3A_69] : memref<100000x128xf32, #tpu.memory_space<hbm>> -> memref<1x128xf32, #tpu.memory_space<hbm>>
    tpu.enqueue_dma source(%dma_start3A_70 : memref<1x128xf32, #tpu.memory_space<hbm>>) target(%dma_start3A_67 : memref<1x128xf32, #tpu.memory_space<hbm>>) target_semaphore(%arg3 : memref<!tpu.dma_semaphore, #tpu.memory_space<semaphore_mem>>)
    %dma_start3A_71 = arith.constant 12 : i32
    %dma_start3A_72 = arith.constant 0 : i32
    %dma_start3A_73 = tpu.memref_slice %arg2[%dma_start3A_71, %dma_start3A_72] : memref<128x128xf32, #tpu.memory_space<hbm>> -> memref<1x128xf32, #tpu.memory_space<hbm>>
    %dma_start3A_74 = arith.constant 9372 : i32
    %dma_start3A_75 = arith.constant 0 : i32
    %dma_start3A_76 = tpu.memref_slice %arg1[%dma_start3A_74, %dma_start3A_75] : memref<100000x128xf32, #tpu.memory_space<hbm>> -> memref<1x128xf32, #tpu.memory_space<hbm>>
    tpu.enqueue_dma source(%dma_start3A_76 : memref<1x128xf32, #tpu.memory_space<hbm>>) target(%dma_start3A_73 : memref<1x128xf32, #tpu.memory_space<hbm>>) target_semaphore(%arg3 : memref<!tpu.dma_semaphore, #tpu.memory_space<semaphore_mem>>)
    %dma_start3A_77 = arith.constant 13 : i32
    %dma_start3A_78 = arith.constant 0 : i32
    %dma_start3A_79 = tpu.memref_slice %arg2[%dma_start3A_77, %dma_start3A_78] : memref<128x128xf32, #tpu.memory_space<hbm>> -> memref<1x128xf32, #tpu.memory_space<hbm>>
    %dma_start3A_80 = arith.constant 10153 : i32
    %dma_start3A_81 = arith.constant 0 : i32
    %dma_start3A_82 = tpu.memref_slice %arg1[%dma_start3A_80, %dma_start3A_81] : memref<100000x128xf32, #tpu.memory_space<hbm>> -> memref<1x128xf32, #tpu.memory_space<hbm>>
    tpu.enqueue_dma source(%dma_start3A_82 : memref<1x128xf32, #tpu.memory_space<hbm>>) target(%dma_start3A_79 : memref<1x128xf32, #tpu.memory_space<hbm>>) target_semaphore(%arg3 : memref<!tpu.dma_semaphore, #tpu.memory_space<semaphore_mem>>)
    %dma_start3A_83 = arith.constant 14 : i32
    %dma_start3A_84 = arith.constant 0 : i32
    %dma_start3A_85 = tpu.memref_slice %arg2[%dma_start3A_83, %dma_start3A_84] : memref<128x128xf32, #tpu.memory_space<hbm>> -> memref<1x128xf32, #tpu.memory_space<hbm>>
    %dma_start3A_86 = arith.constant 10934 : i32
    %dma_start3A_87 = arith.constant 0 : i32
    %dma_start3A_88 = tpu.memref_slice %arg1[%dma_start3A_86, %dma_start3A_87] : memref<100000x128xf32, #tpu.memory_space<hbm>> -> memref<1x128xf32, #tpu.memory_space<hbm>>
    tpu.enqueue_dma source(%dma_start3A_88 : memref<1x128xf32, #tpu.memory_space<hbm>>) target(%dma_start3A_85 : memref<1x128xf32, #tpu.memory_space<hbm>>) target_semaphore(%arg3 : memref<!tpu.dma_semaphore, #tpu.memory_space<semaphore_mem>>)
    %dma_start3A_89 = arith.constant 15 : i32
    %dma_start3A_90 = arith.constant 0 : i32
    %dma_start3A_91 = tpu.memref_slice %arg2[%dma_start3A_89, %dma_start3A_90] : memref<128x128xf32, #tpu.memory_space<hbm>> -> memref<1x128xf32, #tpu.memory_space<hbm>>
    %dma_start3A_92 = arith.constant 11715 : i32
    %dma_start3A_93 = arith.constant 0 : i32
    %dma_start3A_94 = tpu.memref_slice %arg1[%dma_start3A_92, %dma_start3A_93] : memref<100000x128xf32, #tpu.memory_space<hbm>> -> memref<1x128xf32, #tpu.memory_space<hbm>>
    tpu.enqueue_dma source(%dma_start3A_94 : memref<1x128xf32, #tpu.memory_space<hbm>>) target(%dma_start3A_91 : memref<1x128xf32, #tpu.memory_space<hbm>>) target_semaphore(%arg3 : memref<!tpu.dma_semaphore, #tpu.memory_space<semaphore_mem>>)
    %dma_start3A_95 = arith.constant 16 : i32
    %dma_start3A_96 = arith.constant 0 : i32
    %dma_start3A_97 = tpu.memref_slice %arg2[%dma_start3A_95, %dma_start3A_96] : memref<128x128xf32, #tpu.memory_space<hbm>> -> memref<1x128xf32, #tpu.memory_space<hbm>>
    %dma_start3A_98 = arith.constant 12496 : i32
    %dma_start3A_99 = arith.constant 0 : i32
    %dma_start3A_100 = tpu.memref_slice %arg1[%dma_start3A_98, %dma_start3A_99] : memref<100000x128xf32, #tpu.memory_space<hbm>> -> memref<1x128xf32, #tpu.memory_space<hbm>>
    tpu.enqueue_dma source(%dma_start3A_100 : memref<1x128xf32, #tpu.memory_space<hbm>>) target(%dma_start3A_97 : memref<1x128xf32, #tpu.memory_space<hbm>>) target_semaphore(%arg3 : memref<!tpu.dma_semaphore, #tpu.memory_space<semaphore_mem>>)
    %dma_start3A_101 = arith.constant 17 : i32
    %dma_start3A_102 = arith.constant 0 : i32
    %dma_start3A_103 = tpu.memref_slice %arg2[%dma_start3A_101, %dma_start3A_102] : memref<128x128xf32, #tpu.memory_space<hbm>> -> memref<1x128xf32, #tpu.memory_space<hbm>>
    %dma_start3A_104 = arith.constant 13277 : i32
    %dma_start3A_105 = arith.constant 0 : i32
    %dma_start3A_106 = tpu.memref_slice %arg1[%dma_start3A_104, %dma_start3A_105] : memref<100000x128xf32, #tpu.memory_space<hbm>> -> memref<1x128xf32, #tpu.memory_space<hbm>>
    tpu.enqueue_dma source(%dma_start3A_106 : memref<1x128xf32, #tpu.memory_space<hbm>>) target(%dma_start3A_103 : memref<1x128xf32, #tpu.memory_space<hbm>>) target_semaphore(%arg3 : memref<!tpu.dma_semaphore, #tpu.memory_space<semaphore_mem>>)
    %dma_start3A_107 = arith.constant 18 : i32
    %dma_start3A_108 = arith.constant 0 : i32
    %dma_start3A_109 = tpu.memref_slice %arg2[%dma_start3A_107, %dma_start3A_108] : memref<128x128xf32, #tpu.memory_space<hbm>> -> memref<1x128xf32, #tpu.memory_space<hbm>>
    %dma_start3A_110 = arith.constant 14058 : i32
    %dma_start3A_111 = arith.constant 0 : i32
    %dma_start3A_112 = tpu.memref_slice %arg1[%dma_start3A_110, %dma_start3A_111] : memref<100000x128xf32, #tpu.memory_space<hbm>> -> memref<1x128xf32, #tpu.memory_space<hbm>>
    tpu.enqueue_dma source(%dma_start3A_112 : memref<1x128xf32, #tpu.memory_space<hbm>>) target(%dma_start3A_109 : memref<1x128xf32, #tpu.memory_space<hbm>>) target_semaphore(%arg3 : memref<!tpu.dma_semaphore, #tpu.memory_space<semaphore_mem>>)
    %dma_start3A_113 = arith.constant 19 : i32
    %dma_start3A_114 = arith.constant 0 : i32
    %dma_start3A_115 = tpu.memref_slice %arg2[%dma_start3A_113, %dma_start3A_114] : memref<128x128xf32, #tpu.memory_space<hbm>> -> memref<1x128xf32, #tpu.memory_space<hbm>>
    %dma_start3A_116 = arith.constant 14839 : i32
    %dma_start3A_117 = arith.constant 0 : i32
    %dma_start3A_118 = tpu.memref_slice %arg1[%dma_start3A_116, %dma_start3A_117] : memref<100000x128xf32, #tpu.memory_space<hbm>> -> memref<1x128xf32, #tpu.memory_space<hbm>>
    tpu.enqueue_dma source(%dma_start3A_118 : memref<1x128xf32, #tpu.memory_space<hbm>>) target(%dma_start3A_115 : memref<1x128xf32, #tpu.memory_space<hbm>>) target_semaphore(%arg3 : memref<!tpu.dma_semaphore, #tpu.memory_space<semaphore_mem>>)
    %dma_start3A_119 = arith.constant 20 : i32
    %dma_start3A_120 = arith.constant 0 : i32
    %dma_start3A_121 = tpu.memref_slice %arg2[%dma_start3A_119, %dma_start3A_120] : memref<128x128xf32, #tpu.memory_space<hbm>> -> memref<1x128xf32, #tpu.memory_space<hbm>>
    %dma_start3A_122 = arith.constant 15620 : i32
    %dma_start3A_123 = arith.constant 0 : i32
    %dma_start3A_124 = tpu.memref_slice %arg1[%dma_start3A_122, %dma_start3A_123] : memref<100000x128xf32, #tpu.memory_space<hbm>> -> memref<1x128xf32, #tpu.memory_space<hbm>>
    tpu.enqueue_dma source(%dma_start3A_124 : memref<1x128xf32, #tpu.memory_space<hbm>>) target(%dma_start3A_121 : memref<1x128xf32, #tpu.memory_space<hbm>>) target_semaphore(%arg3 : memref<!tpu.dma_semaphore, #tpu.memory_space<semaphore_mem>>)
    %dma_start3A_125 = arith.constant 21 : i32
    %dma_start3A_126 = arith.constant 0 : i32
    %dma_start3A_127 = tpu.memref_slice %arg2[%dma_start3A_125, %dma_start3A_126] : memref<128x128xf32, #tpu.memory_space<hbm>> -> memref<1x128xf32, #tpu.memory_space<hbm>>
    %dma_start3A_128 = arith.constant 16401 : i32
    %dma_start3A_129 = arith.constant 0 : i32
    %dma_start3A_130 = tpu.memref_slice %arg1[%dma_start3A_128, %dma_start3A_129] : memref<100000x128xf32, #tpu.memory_space<hbm>> -> memref<1x128xf32, #tpu.memory_space<hbm>>
    tpu.enqueue_dma source(%dma_start3A_130 : memref<1x128xf32, #tpu.memory_space<hbm>>) target(%dma_start3A_127 : memref<1x128xf32, #tpu.memory_space<hbm>>) target_semaphore(%arg3 : memref<!tpu.dma_semaphore, #tpu.memory_space<semaphore_mem>>)
    %dma_start3A_131 = arith.constant 22 : i32
    %dma_start3A_132 = arith.constant 0 : i32
    %dma_start3A_133 = tpu.memref_slice %arg2[%dma_start3A_131, %dma_start3A_132] : memref<128x128xf32, #tpu.memory_space<hbm>> -> memref<1x128xf32, #tpu.memory_space<hbm>>
    %dma_start3A_134 = arith.constant 17182 : i32
    %dma_start3A_135 = arith.constant 0 : i32
    %dma_start3A_136 = tpu.memref_slice %arg1[%dma_start3A_134, %dma_start3A_135] : memref<100000x128xf32, #tpu.memory_space<hbm>> -> memref<1x128xf32, #tpu.memory_space<hbm>>
    tpu.enqueue_dma source(%dma_start3A_136 : memref<1x128xf32, #tpu.memory_space<hbm>>) target(%dma_start3A_133 : memref<1x128xf32, #tpu.memory_space<hbm>>) target_semaphore(%arg3 : memref<!tpu.dma_semaphore, #tpu.memory_space<semaphore_mem>>)
    %dma_start3A_137 = arith.constant 23 : i32
    %dma_start3A_138 = arith.constant 0 : i32
    %dma_start3A_139 = tpu.memref_slice %arg2[%dma_start3A_137, %dma_start3A_138] : memref<128x128xf32, #tpu.memory_space<hbm>> -> memref<1x128xf32, #tpu.memory_space<hbm>>
    %dma_start3A_140 = arith.constant 17963 : i32
    %dma_start3A_141 = arith.constant 0 : i32
    %dma_start3A_142 = tpu.memref_slice %arg1[%dma_start3A_140, %dma_start3A_141] : memref<100000x128xf32, #tpu.memory_space<hbm>> -> memref<1x128xf32, #tpu.memory_space<hbm>>
    tpu.enqueue_dma source(%dma_start3A_142 : memref<1x128xf32, #tpu.memory_space<hbm>>) target(%dma_start3A_139 : memref<1x128xf32, #tpu.memory_space<hbm>>) target_semaphore(%arg3 : memref<!tpu.dma_semaphore, #tpu.memory_space<semaphore_mem>>)
    %dma_start3A_143 = arith.constant 24 : i32
    %dma_start3A_144 = arith.constant 0 : i32
    %dma_start3A_145 = tpu.memref_slice %arg2[%dma_start3A_143, %dma_start3A_144] : memref<128x128xf32, #tpu.memory_space<hbm>> -> memref<1x128xf32, #tpu.memory_space<hbm>>
    %dma_start3A_146 = arith.constant 18744 : i32
    %dma_start3A_147 = arith.constant 0 : i32
    %dma_start3A_148 = tpu.memref_slice %arg1[%dma_start3A_146, %dma_start3A_147] : memref<100000x128xf32, #tpu.memory_space<hbm>> -> memref<1x128xf32, #tpu.memory_space<hbm>>
    tpu.enqueue_dma source(%dma_start3A_148 : memref<1x128xf32, #tpu.memory_space<hbm>>) target(%dma_start3A_145 : memref<1x128xf32, #tpu.memory_space<hbm>>) target_semaphore(%arg3 : memref<!tpu.dma_semaphore, #tpu.memory_space<semaphore_mem>>)
    %dma_start3A_149 = arith.constant 25 : i32
    %dma_start3A_150 = arith.constant 0 : i32
    %dma_start3A_151 = tpu.memref_slice %arg2[%dma_start3A_149, %dma_start3A_150] : memref<128x128xf32, #tpu.memory_space<hbm>> -> memref<1x128xf32, #tpu.memory_space<hbm>>
    %dma_start3A_152 = arith.constant 19525 : i32
    %dma_start3A_153 = arith.constant 0 : i32
    %dma_start3A_154 = tpu.memref_slice %arg1[%dma_start3A_152, %dma_start3A_153] : memref<100000x128xf32, #tpu.memory_space<hbm>> -> memref<1x128xf32, #tpu.memory_space<hbm>>
    tpu.enqueue_dma source(%dma_start3A_154 : memref<1x128xf32, #tpu.memory_space<hbm>>) target(%dma_start3A_151 : memref<1x128xf32, #tpu.memory_space<hbm>>) target_semaphore(%arg3 : memref<!tpu.dma_semaphore, #tpu.memory_space<semaphore_mem>>)
    %dma_start3A_155 = arith.constant 26 : i32
    %dma_start3A_156 = arith.constant 0 : i32
    %dma_start3A_157 = tpu.memref_slice %arg2[%dma_start3A_155, %dma_start3A_156] : memref<128x128xf32, #tpu.memory_space<hbm>> -> memref<1x128xf32, #tpu.memory_space<hbm>>
    %dma_start3A_158 = arith.constant 20306 : i32
    %dma_start3A_159 = arith.constant 0 : i32
    %dma_start3A_160 = tpu.memref_slice %arg1[%dma_start3A_158, %dma_start3A_159] : memref<100000x128xf32, #tpu.memory_space<hbm>> -> memref<1x128xf32, #tpu.memory_space<hbm>>
    tpu.enqueue_dma source(%dma_start3A_160 : memref<1x128xf32, #tpu.memory_space<hbm>>) target(%dma_start3A_157 : memref<1x128xf32, #tpu.memory_space<hbm>>) target_semaphore(%arg3 : memref<!tpu.dma_semaphore, #tpu.memory_space<semaphore_mem>>)
    %dma_start3A_161 = arith.constant 27 : i32
    %dma_start3A_162 = arith.constant 0 : i32
    %dma_start3A_163 = tpu.memref_slice %arg2[%dma_start3A_161, %dma_start3A_162] : memref<128x128xf32, #tpu.memory_space<hbm>> -> memref<1x128xf32, #tpu.memory_space<hbm>>
    %dma_start3A_164 = arith.constant 21087 : i32
    %dma_start3A_165 = arith.constant 0 : i32
    %dma_start3A_166 = tpu.memref_slice %arg1[%dma_start3A_164, %dma_start3A_165] : memref<100000x128xf32, #tpu.memory_space<hbm>> -> memref<1x128xf32, #tpu.memory_space<hbm>>
    tpu.enqueue_dma source(%dma_start3A_166 : memref<1x128xf32, #tpu.memory_space<hbm>>) target(%dma_start3A_163 : memref<1x128xf32, #tpu.memory_space<hbm>>) target_semaphore(%arg3 : memref<!tpu.dma_semaphore, #tpu.memory_space<semaphore_mem>>)
    %dma_start3A_167 = arith.constant 28 : i32
    %dma_start3A_168 = arith.constant 0 : i32
    %dma_start3A_169 = tpu.memref_slice %arg2[%dma_start3A_167, %dma_start3A_168] : memref<128x128xf32, #tpu.memory_space<hbm>> -> memref<1x128xf32, #tpu.memory_space<hbm>>
    %dma_start3A_170 = arith.constant 21868 : i32
    %dma_start3A_171 = arith.constant 0 : i32
    %dma_start3A_172 = tpu.memref_slice %arg1[%dma_start3A_170, %dma_start3A_171] : memref<100000x128xf32, #tpu.memory_space<hbm>> -> memref<1x128xf32, #tpu.memory_space<hbm>>
    tpu.enqueue_dma source(%dma_start3A_172 : memref<1x128xf32, #tpu.memory_space<hbm>>) target(%dma_start3A_169 : memref<1x128xf32, #tpu.memory_space<hbm>>) target_semaphore(%arg3 : memref<!tpu.dma_semaphore, #tpu.memory_space<semaphore_mem>>)
    %dma_start3A_173 = arith.constant 29 : i32
    %dma_start3A_174 = arith.constant 0 : i32
    %dma_start3A_175 = tpu.memref_slice %arg2[%dma_start3A_173, %dma_start3A_174] : memref<128x128xf32, #tpu.memory_space<hbm>> -> memref<1x128xf32, #tpu.memory_space<hbm>>
    %dma_start3A_176 = arith.constant 22649 : i32
    %dma_start3A_177 = arith.constant 0 : i32
    %dma_start3A_178 = tpu.memref_slice %arg1[%dma_start3A_176, %dma_start3A_177] : memref<100000x128xf32, #tpu.memory_space<hbm>> -> memref<1x128xf32, #tpu.memory_space<hbm>>
    tpu.enqueue_dma source(%dma_start3A_178 : memref<1x128xf32, #tpu.memory_space<hbm>>) target(%dma_start3A_175 : memref<1x128xf32, #tpu.memory_space<hbm>>) target_semaphore(%arg3 : memref<!tpu.dma_semaphore, #tpu.memory_space<semaphore_mem>>)
    %dma_start3A_179 = arith.constant 30 : i32
    %dma_start3A_180 = arith.constant 0 : i32
    %dma_start3A_181 = tpu.memref_slice %arg2[%dma_start3A_179, %dma_start3A_180] : memref<128x128xf32, #tpu.memory_space<hbm>> -> memref<1x128xf32, #tpu.memory_space<hbm>>
    %dma_start3A_182 = arith.constant 23430 : i32
    %dma_start3A_183 = arith.constant 0 : i32
    %dma_start3A_184 = tpu.memref_slice %arg1[%dma_start3A_182, %dma_start3A_183] : memref<100000x128xf32, #tpu.memory_space<hbm>> -> memref<1x128xf32, #tpu.memory_space<hbm>>
    tpu.enqueue_dma source(%dma_start3A_184 : memref<1x128xf32, #tpu.memory_space<hbm>>) target(%dma_start3A_181 : memref<1x128xf32, #tpu.memory_space<hbm>>) target_semaphore(%arg3 : memref<!tpu.dma_semaphore, #tpu.memory_space<semaphore_mem>>)
    %dma_start3A_185 = arith.constant 31 : i32
    %dma_start3A_186 = arith.constant 0 : i32
    %dma_start3A_187 = tpu.memref_slice %arg2[%dma_start3A_185, %dma_start3A_186] : memref<128x128xf32, #tpu.memory_space<hbm>> -> memref<1x128xf32, #tpu.memory_space<hbm>>
    %dma_start3A_188 = arith.constant 24211 : i32
    %dma_start3A_189 = arith.constant 0 : i32
    %dma_start3A_190 = tpu.memref_slice %arg1[%dma_start3A_188, %dma_start3A_189] : memref<100000x128xf32, #tpu.memory_space<hbm>> -> memref<1x128xf32, #tpu.memory_space<hbm>>
    tpu.enqueue_dma source(%dma_start3A_190 : memref<1x128xf32, #tpu.memory_space<hbm>>) target(%dma_start3A_187 : memref<1x128xf32, #tpu.memory_space<hbm>>) target_semaphore(%arg3 : memref<!tpu.dma_semaphore, #tpu.memory_space<semaphore_mem>>)
    %dma_start3A_191 = arith.constant 32 : i32
    %dma_start3A_192 = arith.constant 0 : i32
    %dma_start3A_193 = tpu.memref_slice %arg2[%dma_start3A_191, %dma_start3A_192] : memref<128x128xf32, #tpu.memory_space<hbm>> -> memref<1x128xf32, #tpu.memory_space<hbm>>
    %dma_start3A_194 = arith.constant 24992 : i32
    %dma_start3A_195 = arith.constant 0 : i32
    %dma_start3A_196 = tpu.memref_slice %arg1[%dma_start3A_194, %dma_start3A_195] : memref<100000x128xf32, #tpu.memory_space<hbm>> -> memref<1x128xf32, #tpu.memory_space<hbm>>
    tpu.enqueue_dma source(%dma_start3A_196 : memref<1x128xf32, #tpu.memory_space<hbm>>) target(%dma_start3A_193 : memref<1x128xf32, #tpu.memory_space<hbm>>) target_semaphore(%arg3 : memref<!tpu.dma_semaphore, #tpu.memory_space<semaphore_mem>>)
    %dma_start3A_197 = arith.constant 33 : i32
    %dma_start3A_198 = arith.constant 0 : i32
    %dma_start3A_199 = tpu.memref_slice %arg2[%dma_start3A_197, %dma_start3A_198] : memref<128x128xf32, #tpu.memory_space<hbm>> -> memref<1x128xf32, #tpu.memory_space<hbm>>
    %dma_start3A_200 = arith.constant 25773 : i32
    %dma_start3A_201 = arith.constant 0 : i32
    %dma_start3A_202 = tpu.memref_slice %arg1[%dma_start3A_200, %dma_start3A_201] : memref<100000x128xf32, #tpu.memory_space<hbm>> -> memref<1x128xf32, #tpu.memory_space<hbm>>
    tpu.enqueue_dma source(%dma_start3A_202 : memref<1x128xf32, #tpu.memory_space<hbm>>) target(%dma_start3A_199 : memref<1x128xf32, #tpu.memory_space<hbm>>) target_semaphore(%arg3 : memref<!tpu.dma_semaphore, #tpu.memory_space<semaphore_mem>>)
    %dma_start3A_203 = arith.constant 34 : i32
    %dma_start3A_204 = arith.constant 0 : i32
    %dma_start3A_205 = tpu.memref_slice %arg2[%dma_start3A_203, %dma_start3A_204] : memref<128x128xf32, #tpu.memory_space<hbm>> -> memref<1x128xf32, #tpu.memory_space<hbm>>
    %dma_start3A_206 = arith.constant 26554 : i32
    %dma_start3A_207 = arith.constant 0 : i32
    %dma_start3A_208 = tpu.memref_slice %arg1[%dma_start3A_206, %dma_start3A_207] : memref<100000x128xf32, #tpu.memory_space<hbm>> -> memref<1x128xf32, #tpu.memory_space<hbm>>
    tpu.enqueue_dma source(%dma_start3A_208 : memref<1x128xf32, #tpu.memory_space<hbm>>) target(%dma_start3A_205 : memref<1x128xf32, #tpu.memory_space<hbm>>) target_semaphore(%arg3 : memref<!tpu.dma_semaphore, #tpu.memory_space<semaphore_mem>>)
    %dma_start3A_209 = arith.constant 35 : i32
    %dma_start3A_210 = arith.constant 0 : i32
    %dma_start3A_211 = tpu.memref_slice %arg2[%dma_start3A_209, %dma_start3A_210] : memref<128x128xf32, #tpu.memory_space<hbm>> -> memref<1x128xf32, #tpu.memory_space<hbm>>
    %dma_start3A_212 = arith.constant 27335 : i32
    %dma_start3A_213 = arith.constant 0 : i32
    %dma_start3A_214 = tpu.memref_slice %arg1[%dma_start3A_212, %dma_start3A_213] : memref<100000x128xf32, #tpu.memory_space<hbm>> -> memref<1x128xf32, #tpu.memory_space<hbm>>
    tpu.enqueue_dma source(%dma_start3A_214 : memref<1x128xf32, #tpu.memory_space<hbm>>) target(%dma_start3A_211 : memref<1x128xf32, #tpu.memory_space<hbm>>) target_semaphore(%arg3 : memref<!tpu.dma_semaphore, #tpu.memory_space<semaphore_mem>>)
    %dma_start3A_215 = arith.constant 36 : i32
    %dma_start3A_216 = arith.constant 0 : i32
    %dma_start3A_217 = tpu.memref_slice %arg2[%dma_start3A_215, %dma_start3A_216] : memref<128x128xf32, #tpu.memory_space<hbm>> -> memref<1x128xf32, #tpu.memory_space<hbm>>
    %dma_start3A_218 = arith.constant 28116 : i32
    %dma_start3A_219 = arith.constant 0 : i32
    %dma_start3A_220 = tpu.memref_slice %arg1[%dma_start3A_218, %dma_start3A_219] : memref<100000x128xf32, #tpu.memory_space<hbm>> -> memref<1x128xf32, #tpu.memory_space<hbm>>
    tpu.enqueue_dma source(%dma_start3A_220 : memref<1x128xf32, #tpu.memory_space<hbm>>) target(%dma_start3A_217 : memref<1x128xf32, #tpu.memory_space<hbm>>) target_semaphore(%arg3 : memref<!tpu.dma_semaphore, #tpu.memory_space<semaphore_mem>>)
    %dma_start3A_221 = arith.constant 37 : i32
    %dma_start3A_222 = arith.constant 0 : i32
    %dma_start3A_223 = tpu.memref_slice %arg2[%dma_start3A_221, %dma_start3A_222] : memref<128x128xf32, #tpu.memory_space<hbm>> -> memref<1x128xf32, #tpu.memory_space<hbm>>
    %dma_start3A_224 = arith.constant 28897 : i32
    %dma_start3A_225 = arith.constant 0 : i32
    %dma_start3A_226 = tpu.memref_slice %arg1[%dma_start3A_224, %dma_start3A_225] : memref<100000x128xf32, #tpu.memory_space<hbm>> -> memref<1x128xf32, #tpu.memory_space<hbm>>
    tpu.enqueue_dma source(%dma_start3A_226 : memref<1x128xf32, #tpu.memory_space<hbm>>) target(%dma_start3A_223 : memref<1x128xf32, #tpu.memory_space<hbm>>) target_semaphore(%arg3 : memref<!tpu.dma_semaphore, #tpu.memory_space<semaphore_mem>>)
    %dma_start3A_227 = arith.constant 38 : i32
    %dma_start3A_228 = arith.constant 0 : i32
    %dma_start3A_229 = tpu.memref_slice %arg2[%dma_start3A_227, %dma_start3A_228] : memref<128x128xf32, #tpu.memory_space<hbm>> -> memref<1x128xf32, #tpu.memory_space<hbm>>
    %dma_start3A_230 = arith.constant 29678 : i32
    %dma_start3A_231 = arith.constant 0 : i32
    %dma_start3A_232 = tpu.memref_slice %arg1[%dma_start3A_230, %dma_start3A_231] : memref<100000x128xf32, #tpu.memory_space<hbm>> -> memref<1x128xf32, #tpu.memory_space<hbm>>
    tpu.enqueue_dma source(%dma_start3A_232 : memref<1x128xf32, #tpu.memory_space<hbm>>) target(%dma_start3A_229 : memref<1x128xf32, #tpu.memory_space<hbm>>) target_semaphore(%arg3 : memref<!tpu.dma_semaphore, #tpu.memory_space<semaphore_mem>>)
    %dma_start3A_233 = arith.constant 39 : i32
    %dma_start3A_234 = arith.constant 0 : i32
    %dma_start3A_235 = tpu.memref_slice %arg2[%dma_start3A_233, %dma_start3A_234] : memref<128x128xf32, #tpu.memory_space<hbm>> -> memref<1x128xf32, #tpu.memory_space<hbm>>
    %dma_start3A_236 = arith.constant 30459 : i32
    %dma_start3A_237 = arith.constant 0 : i32
    %dma_start3A_238 = tpu.memref_slice %arg1[%dma_start3A_236, %dma_start3A_237] : memref<100000x128xf32, #tpu.memory_space<hbm>> -> memref<1x128xf32, #tpu.memory_space<hbm>>
    tpu.enqueue_dma source(%dma_start3A_238 : memref<1x128xf32, #tpu.memory_space<hbm>>) target(%dma_start3A_235 : memref<1x128xf32, #tpu.memory_space<hbm>>) target_semaphore(%arg3 : memref<!tpu.dma_semaphore, #tpu.memory_space<semaphore_mem>>)
    %dma_start3A_239 = arith.constant 40 : i32
    %dma_start3A_240 = arith.constant 0 : i32
    %dma_start3A_241 = tpu.memref_slice %arg2[%dma_start3A_239, %dma_start3A_240] : memref<128x128xf32, #tpu.memory_space<hbm>> -> memref<1x128xf32, #tpu.memory_space<hbm>>
    %dma_start3A_242 = arith.constant 31240 : i32
    %dma_start3A_243 = arith.constant 0 : i32
    %dma_start3A_244 = tpu.memref_slice %arg1[%dma_start3A_242, %dma_start3A_243] : memref<100000x128xf32, #tpu.memory_space<hbm>> -> memref<1x128xf32, #tpu.memory_space<hbm>>
    tpu.enqueue_dma source(%dma_start3A_244 : memref<1x128xf32, #tpu.memory_space<hbm>>) target(%dma_start3A_241 : memref<1x128xf32, #tpu.memory_space<hbm>>) target_semaphore(%arg3 : memref<!tpu.dma_semaphore, #tpu.memory_space<semaphore_mem>>)
    %dma_start3A_245 = arith.constant 41 : i32
    %dma_start3A_246 = arith.constant 0 : i32
    %dma_start3A_247 = tpu.memref_slice %arg2[%dma_start3A_245, %dma_start3A_246] : memref<128x128xf32, #tpu.memory_space<hbm>> -> memref<1x128xf32, #tpu.memory_space<hbm>>
    %dma_start3A_248 = arith.constant 32021 : i32
    %dma_start3A_249 = arith.constant 0 : i32
    %dma_start3A_250 = tpu.memref_slice %arg1[%dma_start3A_248, %dma_start3A_249] : memref<100000x128xf32, #tpu.memory_space<hbm>> -> memref<1x128xf32, #tpu.memory_space<hbm>>
    tpu.enqueue_dma source(%dma_start3A_250 : memref<1x128xf32, #tpu.memory_space<hbm>>) target(%dma_start3A_247 : memref<1x128xf32, #tpu.memory_space<hbm>>) target_semaphore(%arg3 : memref<!tpu.dma_semaphore, #tpu.memory_space<semaphore_mem>>)
    %dma_start3A_251 = arith.constant 42 : i32
    %dma_start3A_252 = arith.constant 0 : i32
    %dma_start3A_253 = tpu.memref_slice %arg2[%dma_start3A_251, %dma_start3A_252] : memref<128x128xf32, #tpu.memory_space<hbm>> -> memref<1x128xf32, #tpu.memory_space<hbm>>
    %dma_start3A_254 = arith.constant 32802 : i32
    %dma_start3A_255 = arith.constant 0 : i32
    %dma_start3A_256 = tpu.memref_slice %arg1[%dma_start3A_254, %dma_start3A_255] : memref<100000x128xf32, #tpu.memory_space<hbm>> -> memref<1x128xf32, #tpu.memory_space<hbm>>
    tpu.enqueue_dma source(%dma_start3A_256 : memref<1x128xf32, #tpu.memory_space<hbm>>) target(%dma_start3A_253 : memref<1x128xf32, #tpu.memory_space<hbm>>) target_semaphore(%arg3 : memref<!tpu.dma_semaphore, #tpu.memory_space<semaphore_mem>>)
    %dma_start3A_257 = arith.constant 43 : i32
    %dma_start3A_258 = arith.constant 0 : i32
    %dma_start3A_259 = tpu.memref_slice %arg2[%dma_start3A_257, %dma_start3A_258] : memref<128x128xf32, #tpu.memory_space<hbm>> -> memref<1x128xf32, #tpu.memory_space<hbm>>
    %dma_start3A_260 = arith.constant 33583 : i32
    %dma_start3A_261 = arith.constant 0 : i32
    %dma_start3A_262 = tpu.memref_slice %arg1[%dma_start3A_260, %dma_start3A_261] : memref<100000x128xf32, #tpu.memory_space<hbm>> -> memref<1x128xf32, #tpu.memory_space<hbm>>
    tpu.enqueue_dma source(%dma_start3A_262 : memref<1x128xf32, #tpu.memory_space<hbm>>) target(%dma_start3A_259 : memref<1x128xf32, #tpu.memory_space<hbm>>) target_semaphore(%arg3 : memref<!tpu.dma_semaphore, #tpu.memory_space<semaphore_mem>>)
    %dma_start3A_263 = arith.constant 44 : i32
    %dma_start3A_264 = arith.constant 0 : i32
    %dma_start3A_265 = tpu.memref_slice %arg2[%dma_start3A_263, %dma_start3A_264] : memref<128x128xf32, #tpu.memory_space<hbm>> -> memref<1x128xf32, #tpu.memory_space<hbm>>
    %dma_start3A_266 = arith.constant 34364 : i32
    %dma_start3A_267 = arith.constant 0 : i32
    %dma_start3A_268 = tpu.memref_slice %arg1[%dma_start3A_266, %dma_start3A_267] : memref<100000x128xf32, #tpu.memory_space<hbm>> -> memref<1x128xf32, #tpu.memory_space<hbm>>
    tpu.enqueue_dma source(%dma_start3A_268 : memref<1x128xf32, #tpu.memory_space<hbm>>) target(%dma_start3A_265 : memref<1x128xf32, #tpu.memory_space<hbm>>) target_semaphore(%arg3 : memref<!tpu.dma_semaphore, #tpu.memory_space<semaphore_mem>>)
    %dma_start3A_269 = arith.constant 45 : i32
    %dma_start3A_270 = arith.constant 0 : i32
    %dma_start3A_271 = tpu.memref_slice %arg2[%dma_start3A_269, %dma_start3A_270] : memref<128x128xf32, #tpu.memory_space<hbm>> -> memref<1x128xf32, #tpu.memory_space<hbm>>
    %dma_start3A_272 = arith.constant 35145 : i32
    %dma_start3A_273 = arith.constant 0 : i32
    %dma_start3A_274 = tpu.memref_slice %arg1[%dma_start3A_272, %dma_start3A_273] : memref<100000x128xf32, #tpu.memory_space<hbm>> -> memref<1x128xf32, #tpu.memory_space<hbm>>
    tpu.enqueue_dma source(%dma_start3A_274 : memref<1x128xf32, #tpu.memory_space<hbm>>) target(%dma_start3A_271 : memref<1x128xf32, #tpu.memory_space<hbm>>) target_semaphore(%arg3 : memref<!tpu.dma_semaphore, #tpu.memory_space<semaphore_mem>>)
    %dma_start3A_275 = arith.constant 46 : i32
    %dma_start3A_276 = arith.constant 0 : i32
    %dma_start3A_277 = tpu.memref_slice %arg2[%dma_start3A_275, %dma_start3A_276] : memref<128x128xf32, #tpu.memory_space<hbm>> -> memref<1x128xf32, #tpu.memory_space<hbm>>
    %dma_start3A_278 = arith.constant 35926 : i32
    %dma_start3A_279 = arith.constant 0 : i32
    %dma_start3A_280 = tpu.memref_slice %arg1[%dma_start3A_278, %dma_start3A_279] : memref<100000x128xf32, #tpu.memory_space<hbm>> -> memref<1x128xf32, #tpu.memory_space<hbm>>
    tpu.enqueue_dma source(%dma_start3A_280 : memref<1x128xf32, #tpu.memory_space<hbm>>) target(%dma_start3A_277 : memref<1x128xf32, #tpu.memory_space<hbm>>) target_semaphore(%arg3 : memref<!tpu.dma_semaphore, #tpu.memory_space<semaphore_mem>>)
    %dma_start3A_281 = arith.constant 47 : i32
    %dma_start3A_282 = arith.constant 0 : i32
    %dma_start3A_283 = tpu.memref_slice %arg2[%dma_start3A_281, %dma_start3A_282] : memref<128x128xf32, #tpu.memory_space<hbm>> -> memref<1x128xf32, #tpu.memory_space<hbm>>
    %dma_start3A_284 = arith.constant 36707 : i32
    %dma_start3A_285 = arith.constant 0 : i32
    %dma_start3A_286 = tpu.memref_slice %arg1[%dma_start3A_284, %dma_start3A_285] : memref<100000x128xf32, #tpu.memory_space<hbm>> -> memref<1x128xf32, #tpu.memory_space<hbm>>
    tpu.enqueue_dma source(%dma_start3A_286 : memref<1x128xf32, #tpu.memory_space<hbm>>) target(%dma_start3A_283 : memref<1x128xf32, #tpu.memory_space<hbm>>) target_semaphore(%arg3 : memref<!tpu.dma_semaphore, #tpu.memory_space<semaphore_mem>>)
    %dma_start3A_287 = arith.constant 48 : i32
    %dma_start3A_288 = arith.constant 0 : i32
    %dma_start3A_289 = tpu.memref_slice %arg2[%dma_start3A_287, %dma_start3A_288] : memref<128x128xf32, #tpu.memory_space<hbm>> -> memref<1x128xf32, #tpu.memory_space<hbm>>
    %dma_start3A_290 = arith.constant 37488 : i32
    %dma_start3A_291 = arith.constant 0 : i32
    %dma_start3A_292 = tpu.memref_slice %arg1[%dma_start3A_290, %dma_start3A_291] : memref<100000x128xf32, #tpu.memory_space<hbm>> -> memref<1x128xf32, #tpu.memory_space<hbm>>
    tpu.enqueue_dma source(%dma_start3A_292 : memref<1x128xf32, #tpu.memory_space<hbm>>) target(%dma_start3A_289 : memref<1x128xf32, #tpu.memory_space<hbm>>) target_semaphore(%arg3 : memref<!tpu.dma_semaphore, #tpu.memory_space<semaphore_mem>>)
    %dma_start3A_293 = arith.constant 49 : i32
    %dma_start3A_294 = arith.constant 0 : i32
    %dma_start3A_295 = tpu.memref_slice %arg2[%dma_start3A_293, %dma_start3A_294] : memref<128x128xf32, #tpu.memory_space<hbm>> -> memref<1x128xf32, #tpu.memory_space<hbm>>
    %dma_start3A_296 = arith.constant 38269 : i32
    %dma_start3A_297 = arith.constant 0 : i32
    %dma_start3A_298 = tpu.memref_slice %arg1[%dma_start3A_296, %dma_start3A_297] : memref<100000x128xf32, #tpu.memory_space<hbm>> -> memref<1x128xf32, #tpu.memory_space<hbm>>
    tpu.enqueue_dma source(%dma_start3A_298 : memref<1x128xf32, #tpu.memory_space<hbm>>) target(%dma_start3A_295 : memref<1x128xf32, #tpu.memory_space<hbm>>) target_semaphore(%arg3 : memref<!tpu.dma_semaphore, #tpu.memory_space<semaphore_mem>>)
    %dma_start3A_299 = arith.constant 50 : i32
    %dma_start3A_300 = arith.constant 0 : i32
    %dma_start3A_301 = tpu.memref_slice %arg2[%dma_start3A_299, %dma_start3A_300] : memref<128x128xf32, #tpu.memory_space<hbm>> -> memref<1x128xf32, #tpu.memory_space<hbm>>
    %dma_start3A_302 = arith.constant 39050 : i32
    %dma_start3A_303 = arith.constant 0 : i32
    %dma_start3A_304 = tpu.memref_slice %arg1[%dma_start3A_302, %dma_start3A_303] : memref<100000x128xf32, #tpu.memory_space<hbm>> -> memref<1x128xf32, #tpu.memory_space<hbm>>
    tpu.enqueue_dma source(%dma_start3A_304 : memref<1x128xf32, #tpu.memory_space<hbm>>) target(%dma_start3A_301 : memref<1x128xf32, #tpu.memory_space<hbm>>) target_semaphore(%arg3 : memref<!tpu.dma_semaphore, #tpu.memory_space<semaphore_mem>>)
    %dma_start3A_305 = arith.constant 51 : i32
    %dma_start3A_306 = arith.constant 0 : i32
    %dma_start3A_307 = tpu.memref_slice %arg2[%dma_start3A_305, %dma_start3A_306] : memref<128x128xf32, #tpu.memory_space<hbm>> -> memref<1x128xf32, #tpu.memory_space<hbm>>
    %dma_start3A_308 = arith.constant 39831 : i32
    %dma_start3A_309 = arith.constant 0 : i32
    %dma_start3A_310 = tpu.memref_slice %arg1[%dma_start3A_308, %dma_start3A_309] : memref<100000x128xf32, #tpu.memory_space<hbm>> -> memref<1x128xf32, #tpu.memory_space<hbm>>
    tpu.enqueue_dma source(%dma_start3A_310 : memref<1x128xf32, #tpu.memory_space<hbm>>) target(%dma_start3A_307 : memref<1x128xf32, #tpu.memory_space<hbm>>) target_semaphore(%arg3 : memref<!tpu.dma_semaphore, #tpu.memory_space<semaphore_mem>>)
    %dma_start3A_311 = arith.constant 52 : i32
    %dma_start3A_312 = arith.constant 0 : i32
    %dma_start3A_313 = tpu.memref_slice %arg2[%dma_start3A_311, %dma_start3A_312] : memref<128x128xf32, #tpu.memory_space<hbm>> -> memref<1x128xf32, #tpu.memory_space<hbm>>
    %dma_start3A_314 = arith.constant 40612 : i32
    %dma_start3A_315 = arith.constant 0 : i32
    %dma_start3A_316 = tpu.memref_slice %arg1[%dma_start3A_314, %dma_start3A_315] : memref<100000x128xf32, #tpu.memory_space<hbm>> -> memref<1x128xf32, #tpu.memory_space<hbm>>
    tpu.enqueue_dma source(%dma_start3A_316 : memref<1x128xf32, #tpu.memory_space<hbm>>) target(%dma_start3A_313 : memref<1x128xf32, #tpu.memory_space<hbm>>) target_semaphore(%arg3 : memref<!tpu.dma_semaphore, #tpu.memory_space<semaphore_mem>>)
    %dma_start3A_317 = arith.constant 53 : i32
    %dma_start3A_318 = arith.constant 0 : i32
    %dma_start3A_319 = tpu.memref_slice %arg2[%dma_start3A_317, %dma_start3A_318] : memref<128x128xf32, #tpu.memory_space<hbm>> -> memref<1x128xf32, #tpu.memory_space<hbm>>
    %dma_start3A_320 = arith.constant 41393 : i32
    %dma_start3A_321 = arith.constant 0 : i32
    %dma_start3A_322 = tpu.memref_slice %arg1[%dma_start3A_320, %dma_start3A_321] : memref<100000x128xf32, #tpu.memory_space<hbm>> -> memref<1x128xf32, #tpu.memory_space<hbm>>
    tpu.enqueue_dma source(%dma_start3A_322 : memref<1x128xf32, #tpu.memory_space<hbm>>) target(%dma_start3A_319 : memref<1x128xf32, #tpu.memory_space<hbm>>) target_semaphore(%arg3 : memref<!tpu.dma_semaphore, #tpu.memory_space<semaphore_mem>>)
    %dma_start3A_323 = arith.constant 54 : i32
    %dma_start3A_324 = arith.constant 0 : i32
    %dma_start3A_325 = tpu.memref_slice %arg2[%dma_start3A_323, %dma_start3A_324] : memref<128x128xf32, #tpu.memory_space<hbm>> -> memref<1x128xf32, #tpu.memory_space<hbm>>
    %dma_start3A_326 = arith.constant 42174 : i32
    %dma_start3A_327 = arith.constant 0 : i32
    %dma_start3A_328 = tpu.memref_slice %arg1[%dma_start3A_326, %dma_start3A_327] : memref<100000x128xf32, #tpu.memory_space<hbm>> -> memref<1x128xf32, #tpu.memory_space<hbm>>
    tpu.enqueue_dma source(%dma_start3A_328 : memref<1x128xf32, #tpu.memory_space<hbm>>) target(%dma_start3A_325 : memref<1x128xf32, #tpu.memory_space<hbm>>) target_semaphore(%arg3 : memref<!tpu.dma_semaphore, #tpu.memory_space<semaphore_mem>>)
    %dma_start3A_329 = arith.constant 55 : i32
    %dma_start3A_330 = arith.constant 0 : i32
    %dma_start3A_331 = tpu.memref_slice %arg2[%dma_start3A_329, %dma_start3A_330] : memref<128x128xf32, #tpu.memory_space<hbm>> -> memref<1x128xf32, #tpu.memory_space<hbm>>
    %dma_start3A_332 = arith.constant 42955 : i32
    %dma_start3A_333 = arith.constant 0 : i32
    %dma_start3A_334 = tpu.memref_slice %arg1[%dma_start3A_332, %dma_start3A_333] : memref<100000x128xf32, #tpu.memory_space<hbm>> -> memref<1x128xf32, #tpu.memory_space<hbm>>
    tpu.enqueue_dma source(%dma_start3A_334 : memref<1x128xf32, #tpu.memory_space<hbm>>) target(%dma_start3A_331 : memref<1x128xf32, #tpu.memory_space<hbm>>) target_semaphore(%arg3 : memref<!tpu.dma_semaphore, #tpu.memory_space<semaphore_mem>>)
    %dma_start3A_335 = arith.constant 56 : i32
    %dma_start3A_336 = arith.constant 0 : i32
    %dma_start3A_337 = tpu.memref_slice %arg2[%dma_start3A_335, %dma_start3A_336] : memref<128x128xf32, #tpu.memory_space<hbm>> -> memref<1x128xf32, #tpu.memory_space<hbm>>
    %dma_start3A_338 = arith.constant 43736 : i32
    %dma_start3A_339 = arith.constant 0 : i32
    %dma_start3A_340 = tpu.memref_slice %arg1[%dma_start3A_338, %dma_start3A_339] : memref<100000x128xf32, #tpu.memory_space<hbm>> -> memref<1x128xf32, #tpu.memory_space<hbm>>
    tpu.enqueue_dma source(%dma_start3A_340 : memref<1x128xf32, #tpu.memory_space<hbm>>) target(%dma_start3A_337 : memref<1x128xf32, #tpu.memory_space<hbm>>) target_semaphore(%arg3 : memref<!tpu.dma_semaphore, #tpu.memory_space<semaphore_mem>>)
    %dma_start3A_341 = arith.constant 57 : i32
    %dma_start3A_342 = arith.constant 0 : i32
    %dma_start3A_343 = tpu.memref_slice %arg2[%dma_start3A_341, %dma_start3A_342] : memref<128x128xf32, #tpu.memory_space<hbm>> -> memref<1x128xf32, #tpu.memory_space<hbm>>
    %dma_start3A_344 = arith.constant 44517 : i32
    %dma_start3A_345 = arith.constant 0 : i32
    %dma_start3A_346 = tpu.memref_slice %arg1[%dma_start3A_344, %dma_start3A_345] : memref<100000x128xf32, #tpu.memory_space<hbm>> -> memref<1x128xf32, #tpu.memory_space<hbm>>
    tpu.enqueue_dma source(%dma_start3A_346 : memref<1x128xf32, #tpu.memory_space<hbm>>) target(%dma_start3A_343 : memref<1x128xf32, #tpu.memory_space<hbm>>) target_semaphore(%arg3 : memref<!tpu.dma_semaphore, #tpu.memory_space<semaphore_mem>>)
    %dma_start3A_347 = arith.constant 58 : i32
    %dma_start3A_348 = arith.constant 0 : i32
    %dma_start3A_349 = tpu.memref_slice %arg2[%dma_start3A_347, %dma_start3A_348] : memref<128x128xf32, #tpu.memory_space<hbm>> -> memref<1x128xf32, #tpu.memory_space<hbm>>
    %dma_start3A_350 = arith.constant 45298 : i32
    %dma_start3A_351 = arith.constant 0 : i32
    %dma_start3A_352 = tpu.memref_slice %arg1[%dma_start3A_350, %dma_start3A_351] : memref<100000x128xf32, #tpu.memory_space<hbm>> -> memref<1x128xf32, #tpu.memory_space<hbm>>
    tpu.enqueue_dma source(%dma_start3A_352 : memref<1x128xf32, #tpu.memory_space<hbm>>) target(%dma_start3A_349 : memref<1x128xf32, #tpu.memory_space<hbm>>) target_semaphore(%arg3 : memref<!tpu.dma_semaphore, #tpu.memory_space<semaphore_mem>>)
    %dma_start3A_353 = arith.constant 59 : i32
    %dma_start3A_354 = arith.constant 0 : i32
    %dma_start3A_355 = tpu.memref_slice %arg2[%dma_start3A_353, %dma_start3A_354] : memref<128x128xf32, #tpu.memory_space<hbm>> -> memref<1x128xf32, #tpu.memory_space<hbm>>
    %dma_start3A_356 = arith.constant 46079 : i32
    %dma_start3A_357 = arith.constant 0 : i32
    %dma_start3A_358 = tpu.memref_slice %arg1[%dma_start3A_356, %dma_start3A_357] : memref<100000x128xf32, #tpu.memory_space<hbm>> -> memref<1x128xf32, #tpu.memory_space<hbm>>
    tpu.enqueue_dma source(%dma_start3A_358 : memref<1x128xf32, #tpu.memory_space<hbm>>) target(%dma_start3A_355 : memref<1x128xf32, #tpu.memory_space<hbm>>) target_semaphore(%arg3 : memref<!tpu.dma_semaphore, #tpu.memory_space<semaphore_mem>>)
    %dma_start3A_359 = arith.constant 60 : i32
    %dma_start3A_360 = arith.constant 0 : i32
    %dma_start3A_361 = tpu.memref_slice %arg2[%dma_start3A_359, %dma_start3A_360] : memref<128x128xf32, #tpu.memory_space<hbm>> -> memref<1x128xf32, #tpu.memory_space<hbm>>
    %dma_start3A_362 = arith.constant 46860 : i32
    %dma_start3A_363 = arith.constant 0 : i32
    %dma_start3A_364 = tpu.memref_slice %arg1[%dma_start3A_362, %dma_start3A_363] : memref<100000x128xf32, #tpu.memory_space<hbm>> -> memref<1x128xf32, #tpu.memory_space<hbm>>
    tpu.enqueue_dma source(%dma_start3A_364 : memref<1x128xf32, #tpu.memory_space<hbm>>) target(%dma_start3A_361 : memref<1x128xf32, #tpu.memory_space<hbm>>) target_semaphore(%arg3 : memref<!tpu.dma_semaphore, #tpu.memory_space<semaphore_mem>>)
    %dma_start3A_365 = arith.constant 61 : i32
    %dma_start3A_366 = arith.constant 0 : i32
    %dma_start3A_367 = tpu.memref_slice %arg2[%dma_start3A_365, %dma_start3A_366] : memref<128x128xf32, #tpu.memory_space<hbm>> -> memref<1x128xf32, #tpu.memory_space<hbm>>
    %dma_start3A_368 = arith.constant 47641 : i32
    %dma_start3A_369 = arith.constant 0 : i32
    %dma_start3A_370 = tpu.memref_slice %arg1[%dma_start3A_368, %dma_start3A_369] : memref<100000x128xf32, #tpu.memory_space<hbm>> -> memref<1x128xf32, #tpu.memory_space<hbm>>
    tpu.enqueue_dma source(%dma_start3A_370 : memref<1x128xf32, #tpu.memory_space<hbm>>) target(%dma_start3A_367 : memref<1x128xf32, #tpu.memory_space<hbm>>) target_semaphore(%arg3 : memref<!tpu.dma_semaphore, #tpu.memory_space<semaphore_mem>>)
    %dma_start3A_371 = arith.constant 62 : i32
    %dma_start3A_372 = arith.constant 0 : i32
    %dma_start3A_373 = tpu.memref_slice %arg2[%dma_start3A_371, %dma_start3A_372] : memref<128x128xf32, #tpu.memory_space<hbm>> -> memref<1x128xf32, #tpu.memory_space<hbm>>
    %dma_start3A_374 = arith.constant 48422 : i32
    %dma_start3A_375 = arith.constant 0 : i32
    %dma_start3A_376 = tpu.memref_slice %arg1[%dma_start3A_374, %dma_start3A_375] : memref<100000x128xf32, #tpu.memory_space<hbm>> -> memref<1x128xf32, #tpu.memory_space<hbm>>
    tpu.enqueue_dma source(%dma_start3A_376 : memref<1x128xf32, #tpu.memory_space<hbm>>) target(%dma_start3A_373 : memref<1x128xf32, #tpu.memory_space<hbm>>) target_semaphore(%arg3 : memref<!tpu.dma_semaphore, #tpu.memory_space<semaphore_mem>>)
    %dma_start3A_377 = arith.constant 63 : i32
    %dma_start3A_378 = arith.constant 0 : i32
    %dma_start3A_379 = tpu.memref_slice %arg2[%dma_start3A_377, %dma_start3A_378] : memref<128x128xf32, #tpu.memory_space<hbm>> -> memref<1x128xf32, #tpu.memory_space<hbm>>
    %dma_start3A_380 = arith.constant 49203 : i32
    %dma_start3A_381 = arith.constant 0 : i32
    %dma_start3A_382 = tpu.memref_slice %arg1[%dma_start3A_380, %dma_start3A_381] : memref<100000x128xf32, #tpu.memory_space<hbm>> -> memref<1x128xf32, #tpu.memory_space<hbm>>
    tpu.enqueue_dma source(%dma_start3A_382 : memref<1x128xf32, #tpu.memory_space<hbm>>) target(%dma_start3A_379 : memref<1x128xf32, #tpu.memory_space<hbm>>) target_semaphore(%arg3 : memref<!tpu.dma_semaphore, #tpu.memory_space<semaphore_mem>>)
    %dma_start3A_383 = arith.constant 64 : i32
    %dma_start3A_384 = arith.constant 0 : i32
    %dma_start3A_385 = tpu.memref_slice %arg2[%dma_start3A_383, %dma_start3A_384] : memref<128x128xf32, #tpu.memory_space<hbm>> -> memref<1x128xf32, #tpu.memory_space<hbm>>
    %dma_start3A_386 = arith.constant 49984 : i32
    %dma_start3A_387 = arith.constant 0 : i32
    %dma_start3A_388 = tpu.memref_slice %arg1[%dma_start3A_386, %dma_start3A_387] : memref<100000x128xf32, #tpu.memory_space<hbm>> -> memref<1x128xf32, #tpu.memory_space<hbm>>
    tpu.enqueue_dma source(%dma_start3A_388 : memref<1x128xf32, #tpu.memory_space<hbm>>) target(%dma_start3A_385 : memref<1x128xf32, #tpu.memory_space<hbm>>) target_semaphore(%arg3 : memref<!tpu.dma_semaphore, #tpu.memory_space<semaphore_mem>>)
    %dma_start3A_389 = arith.constant 65 : i32
    %dma_start3A_390 = arith.constant 0 : i32
    %dma_start3A_391 = tpu.memref_slice %arg2[%dma_start3A_389, %dma_start3A_390] : memref<128x128xf32, #tpu.memory_space<hbm>> -> memref<1x128xf32, #tpu.memory_space<hbm>>
    %dma_start3A_392 = arith.constant 50765 : i32
    %dma_start3A_393 = arith.constant 0 : i32
    %dma_start3A_394 = tpu.memref_slice %arg1[%dma_start3A_392, %dma_start3A_393] : memref<100000x128xf32, #tpu.memory_space<hbm>> -> memref<1x128xf32, #tpu.memory_space<hbm>>
    tpu.enqueue_dma source(%dma_start3A_394 : memref<1x128xf32, #tpu.memory_space<hbm>>) target(%dma_start3A_391 : memref<1x128xf32, #tpu.memory_space<hbm>>) target_semaphore(%arg3 : memref<!tpu.dma_semaphore, #tpu.memory_space<semaphore_mem>>)
    %dma_start3A_395 = arith.constant 66 : i32
    %dma_start3A_396 = arith.constant 0 : i32
    %dma_start3A_397 = tpu.memref_slice %arg2[%dma_start3A_395, %dma_start3A_396] : memref<128x128xf32, #tpu.memory_space<hbm>> -> memref<1x128xf32, #tpu.memory_space<hbm>>
    %dma_start3A_398 = arith.constant 51546 : i32
    %dma_start3A_399 = arith.constant 0 : i32
    %dma_start3A_400 = tpu.memref_slice %arg1[%dma_start3A_398, %dma_start3A_399] : memref<100000x128xf32, #tpu.memory_space<hbm>> -> memref<1x128xf32, #tpu.memory_space<hbm>>
    tpu.enqueue_dma source(%dma_start3A_400 : memref<1x128xf32, #tpu.memory_space<hbm>>) target(%dma_start3A_397 : memref<1x128xf32, #tpu.memory_space<hbm>>) target_semaphore(%arg3 : memref<!tpu.dma_semaphore, #tpu.memory_space<semaphore_mem>>)
    %dma_start3A_401 = arith.constant 67 : i32
    %dma_start3A_402 = arith.constant 0 : i32
    %dma_start3A_403 = tpu.memref_slice %arg2[%dma_start3A_401, %dma_start3A_402] : memref<128x128xf32, #tpu.memory_space<hbm>> -> memref<1x128xf32, #tpu.memory_space<hbm>>
    %dma_start3A_404 = arith.constant 52327 : i32
    %dma_start3A_405 = arith.constant 0 : i32
    %dma_start3A_406 = tpu.memref_slice %arg1[%dma_start3A_404, %dma_start3A_405] : memref<100000x128xf32, #tpu.memory_space<hbm>> -> memref<1x128xf32, #tpu.memory_space<hbm>>
    tpu.enqueue_dma source(%dma_start3A_406 : memref<1x128xf32, #tpu.memory_space<hbm>>) target(%dma_start3A_403 : memref<1x128xf32, #tpu.memory_space<hbm>>) target_semaphore(%arg3 : memref<!tpu.dma_semaphore, #tpu.memory_space<semaphore_mem>>)
    %dma_start3A_407 = arith.constant 68 : i32
    %dma_start3A_408 = arith.constant 0 : i32
    %dma_start3A_409 = tpu.memref_slice %arg2[%dma_start3A_407, %dma_start3A_408] : memref<128x128xf32, #tpu.memory_space<hbm>> -> memref<1x128xf32, #tpu.memory_space<hbm>>
    %dma_start3A_410 = arith.constant 53108 : i32
    %dma_start3A_411 = arith.constant 0 : i32
    %dma_start3A_412 = tpu.memref_slice %arg1[%dma_start3A_410, %dma_start3A_411] : memref<100000x128xf32, #tpu.memory_space<hbm>> -> memref<1x128xf32, #tpu.memory_space<hbm>>
    tpu.enqueue_dma source(%dma_start3A_412 : memref<1x128xf32, #tpu.memory_space<hbm>>) target(%dma_start3A_409 : memref<1x128xf32, #tpu.memory_space<hbm>>) target_semaphore(%arg3 : memref<!tpu.dma_semaphore, #tpu.memory_space<semaphore_mem>>)
    %dma_start3A_413 = arith.constant 69 : i32
    %dma_start3A_414 = arith.constant 0 : i32
    %dma_start3A_415 = tpu.memref_slice %arg2[%dma_start3A_413, %dma_start3A_414] : memref<128x128xf32, #tpu.memory_space<hbm>> -> memref<1x128xf32, #tpu.memory_space<hbm>>
    %dma_start3A_416 = arith.constant 53889 : i32
    %dma_start3A_417 = arith.constant 0 : i32
    %dma_start3A_418 = tpu.memref_slice %arg1[%dma_start3A_416, %dma_start3A_417] : memref<100000x128xf32, #tpu.memory_space<hbm>> -> memref<1x128xf32, #tpu.memory_space<hbm>>
    tpu.enqueue_dma source(%dma_start3A_418 : memref<1x128xf32, #tpu.memory_space<hbm>>) target(%dma_start3A_415 : memref<1x128xf32, #tpu.memory_space<hbm>>) target_semaphore(%arg3 : memref<!tpu.dma_semaphore, #tpu.memory_space<semaphore_mem>>)
    %dma_start3A_419 = arith.constant 70 : i32
    %dma_start3A_420 = arith.constant 0 : i32
    %dma_start3A_421 = tpu.memref_slice %arg2[%dma_start3A_419, %dma_start3A_420] : memref<128x128xf32, #tpu.memory_space<hbm>> -> memref<1x128xf32, #tpu.memory_space<hbm>>
    %dma_start3A_422 = arith.constant 54670 : i32
    %dma_start3A_423 = arith.constant 0 : i32
    %dma_start3A_424 = tpu.memref_slice %arg1[%dma_start3A_422, %dma_start3A_423] : memref<100000x128xf32, #tpu.memory_space<hbm>> -> memref<1x128xf32, #tpu.memory_space<hbm>>
    tpu.enqueue_dma source(%dma_start3A_424 : memref<1x128xf32, #tpu.memory_space<hbm>>) target(%dma_start3A_421 : memref<1x128xf32, #tpu.memory_space<hbm>>) target_semaphore(%arg3 : memref<!tpu.dma_semaphore, #tpu.memory_space<semaphore_mem>>)
    %dma_start3A_425 = arith.constant 71 : i32
    %dma_start3A_426 = arith.constant 0 : i32
    %dma_start3A_427 = tpu.memref_slice %arg2[%dma_start3A_425, %dma_start3A_426] : memref<128x128xf32, #tpu.memory_space<hbm>> -> memref<1x128xf32, #tpu.memory_space<hbm>>
    %dma_start3A_428 = arith.constant 55451 : i32
    %dma_start3A_429 = arith.constant 0 : i32
    %dma_start3A_430 = tpu.memref_slice %arg1[%dma_start3A_428, %dma_start3A_429] : memref<100000x128xf32, #tpu.memory_space<hbm>> -> memref<1x128xf32, #tpu.memory_space<hbm>>
    tpu.enqueue_dma source(%dma_start3A_430 : memref<1x128xf32, #tpu.memory_space<hbm>>) target(%dma_start3A_427 : memref<1x128xf32, #tpu.memory_space<hbm>>) target_semaphore(%arg3 : memref<!tpu.dma_semaphore, #tpu.memory_space<semaphore_mem>>)
    %dma_start3A_431 = arith.constant 72 : i32
    %dma_start3A_432 = arith.constant 0 : i32
    %dma_start3A_433 = tpu.memref_slice %arg2[%dma_start3A_431, %dma_start3A_432] : memref<128x128xf32, #tpu.memory_space<hbm>> -> memref<1x128xf32, #tpu.memory_space<hbm>>
    %dma_start3A_434 = arith.constant 56232 : i32
    %dma_start3A_435 = arith.constant 0 : i32
    %dma_start3A_436 = tpu.memref_slice %arg1[%dma_start3A_434, %dma_start3A_435] : memref<100000x128xf32, #tpu.memory_space<hbm>> -> memref<1x128xf32, #tpu.memory_space<hbm>>
    tpu.enqueue_dma source(%dma_start3A_436 : memref<1x128xf32, #tpu.memory_space<hbm>>) target(%dma_start3A_433 : memref<1x128xf32, #tpu.memory_space<hbm>>) target_semaphore(%arg3 : memref<!tpu.dma_semaphore, #tpu.memory_space<semaphore_mem>>)
    %dma_start3A_437 = arith.constant 73 : i32
    %dma_start3A_438 = arith.constant 0 : i32
    %dma_start3A_439 = tpu.memref_slice %arg2[%dma_start3A_437, %dma_start3A_438] : memref<128x128xf32, #tpu.memory_space<hbm>> -> memref<1x128xf32, #tpu.memory_space<hbm>>
    %dma_start3A_440 = arith.constant 57013 : i32
    %dma_start3A_441 = arith.constant 0 : i32
    %dma_start3A_442 = tpu.memref_slice %arg1[%dma_start3A_440, %dma_start3A_441] : memref<100000x128xf32, #tpu.memory_space<hbm>> -> memref<1x128xf32, #tpu.memory_space<hbm>>
    tpu.enqueue_dma source(%dma_start3A_442 : memref<1x128xf32, #tpu.memory_space<hbm>>) target(%dma_start3A_439 : memref<1x128xf32, #tpu.memory_space<hbm>>) target_semaphore(%arg3 : memref<!tpu.dma_semaphore, #tpu.memory_space<semaphore_mem>>)
    %dma_start3A_443 = arith.constant 74 : i32
    %dma_start3A_444 = arith.constant 0 : i32
    %dma_start3A_445 = tpu.memref_slice %arg2[%dma_start3A_443, %dma_start3A_444] : memref<128x128xf32, #tpu.memory_space<hbm>> -> memref<1x128xf32, #tpu.memory_space<hbm>>
    %dma_start3A_446 = arith.constant 57794 : i32
    %dma_start3A_447 = arith.constant 0 : i32
    %dma_start3A_448 = tpu.memref_slice %arg1[%dma_start3A_446, %dma_start3A_447] : memref<100000x128xf32, #tpu.memory_space<hbm>> -> memref<1x128xf32, #tpu.memory_space<hbm>>
    tpu.enqueue_dma source(%dma_start3A_448 : memref<1x128xf32, #tpu.memory_space<hbm>>) target(%dma_start3A_445 : memref<1x128xf32, #tpu.memory_space<hbm>>) target_semaphore(%arg3 : memref<!tpu.dma_semaphore, #tpu.memory_space<semaphore_mem>>)
    %dma_start3A_449 = arith.constant 75 : i32
    %dma_start3A_450 = arith.constant 0 : i32
    %dma_start3A_451 = tpu.memref_slice %arg2[%dma_start3A_449, %dma_start3A_450] : memref<128x128xf32, #tpu.memory_space<hbm>> -> memref<1x128xf32, #tpu.memory_space<hbm>>
    %dma_start3A_452 = arith.constant 58575 : i32
    %dma_start3A_453 = arith.constant 0 : i32
    %dma_start3A_454 = tpu.memref_slice %arg1[%dma_start3A_452, %dma_start3A_453] : memref<100000x128xf32, #tpu.memory_space<hbm>> -> memref<1x128xf32, #tpu.memory_space<hbm>>
    tpu.enqueue_dma source(%dma_start3A_454 : memref<1x128xf32, #tpu.memory_space<hbm>>) target(%dma_start3A_451 : memref<1x128xf32, #tpu.memory_space<hbm>>) target_semaphore(%arg3 : memref<!tpu.dma_semaphore, #tpu.memory_space<semaphore_mem>>)
    %dma_start3A_455 = arith.constant 76 : i32
    %dma_start3A_456 = arith.constant 0 : i32
    %dma_start3A_457 = tpu.memref_slice %arg2[%dma_start3A_455, %dma_start3A_456] : memref<128x128xf32, #tpu.memory_space<hbm>> -> memref<1x128xf32, #tpu.memory_space<hbm>>
    %dma_start3A_458 = arith.constant 59356 : i32
    %dma_start3A_459 = arith.constant 0 : i32
    %dma_start3A_460 = tpu.memref_slice %arg1[%dma_start3A_458, %dma_start3A_459] : memref<100000x128xf32, #tpu.memory_space<hbm>> -> memref<1x128xf32, #tpu.memory_space<hbm>>
    tpu.enqueue_dma source(%dma_start3A_460 : memref<1x128xf32, #tpu.memory_space<hbm>>) target(%dma_start3A_457 : memref<1x128xf32, #tpu.memory_space<hbm>>) target_semaphore(%arg3 : memref<!tpu.dma_semaphore, #tpu.memory_space<semaphore_mem>>)
    %dma_start3A_461 = arith.constant 77 : i32
    %dma_start3A_462 = arith.constant 0 : i32
    %dma_start3A_463 = tpu.memref_slice %arg2[%dma_start3A_461, %dma_start3A_462] : memref<128x128xf32, #tpu.memory_space<hbm>> -> memref<1x128xf32, #tpu.memory_space<hbm>>
    %dma_start3A_464 = arith.constant 60137 : i32
    %dma_start3A_465 = arith.constant 0 : i32
    %dma_start3A_466 = tpu.memref_slice %arg1[%dma_start3A_464, %dma_start3A_465] : memref<100000x128xf32, #tpu.memory_space<hbm>> -> memref<1x128xf32, #tpu.memory_space<hbm>>
    tpu.enqueue_dma source(%dma_start3A_466 : memref<1x128xf32, #tpu.memory_space<hbm>>) target(%dma_start3A_463 : memref<1x128xf32, #tpu.memory_space<hbm>>) target_semaphore(%arg3 : memref<!tpu.dma_semaphore, #tpu.memory_space<semaphore_mem>>)
    %dma_start3A_467 = arith.constant 78 : i32
    %dma_start3A_468 = arith.constant 0 : i32
    %dma_start3A_469 = tpu.memref_slice %arg2[%dma_start3A_467, %dma_start3A_468] : memref<128x128xf32, #tpu.memory_space<hbm>> -> memref<1x128xf32, #tpu.memory_space<hbm>>
    %dma_start3A_470 = arith.constant 60918 : i32
    %dma_start3A_471 = arith.constant 0 : i32
    %dma_start3A_472 = tpu.memref_slice %arg1[%dma_start3A_470, %dma_start3A_471] : memref<100000x128xf32, #tpu.memory_space<hbm>> -> memref<1x128xf32, #tpu.memory_space<hbm>>
    tpu.enqueue_dma source(%dma_start3A_472 : memref<1x128xf32, #tpu.memory_space<hbm>>) target(%dma_start3A_469 : memref<1x128xf32, #tpu.memory_space<hbm>>) target_semaphore(%arg3 : memref<!tpu.dma_semaphore, #tpu.memory_space<semaphore_mem>>)
    %dma_start3A_473 = arith.constant 79 : i32
    %dma_start3A_474 = arith.constant 0 : i32
    %dma_start3A_475 = tpu.memref_slice %arg2[%dma_start3A_473, %dma_start3A_474] : memref<128x128xf32, #tpu.memory_space<hbm>> -> memref<1x128xf32, #tpu.memory_space<hbm>>
    %dma_start3A_476 = arith.constant 61699 : i32
    %dma_start3A_477 = arith.constant 0 : i32
    %dma_start3A_478 = tpu.memref_slice %arg1[%dma_start3A_476, %dma_start3A_477] : memref<100000x128xf32, #tpu.memory_space<hbm>> -> memref<1x128xf32, #tpu.memory_space<hbm>>
    tpu.enqueue_dma source(%dma_start3A_478 : memref<1x128xf32, #tpu.memory_space<hbm>>) target(%dma_start3A_475 : memref<1x128xf32, #tpu.memory_space<hbm>>) target_semaphore(%arg3 : memref<!tpu.dma_semaphore, #tpu.memory_space<semaphore_mem>>)
    %dma_start3A_479 = arith.constant 80 : i32
    %dma_start3A_480 = arith.constant 0 : i32
    %dma_start3A_481 = tpu.memref_slice %arg2[%dma_start3A_479, %dma_start3A_480] : memref<128x128xf32, #tpu.memory_space<hbm>> -> memref<1x128xf32, #tpu.memory_space<hbm>>
    %dma_start3A_482 = arith.constant 62480 : i32
    %dma_start3A_483 = arith.constant 0 : i32
    %dma_start3A_484 = tpu.memref_slice %arg1[%dma_start3A_482, %dma_start3A_483] : memref<100000x128xf32, #tpu.memory_space<hbm>> -> memref<1x128xf32, #tpu.memory_space<hbm>>
    tpu.enqueue_dma source(%dma_start3A_484 : memref<1x128xf32, #tpu.memory_space<hbm>>) target(%dma_start3A_481 : memref<1x128xf32, #tpu.memory_space<hbm>>) target_semaphore(%arg3 : memref<!tpu.dma_semaphore, #tpu.memory_space<semaphore_mem>>)
    %dma_start3A_485 = arith.constant 81 : i32
    %dma_start3A_486 = arith.constant 0 : i32
    %dma_start3A_487 = tpu.memref_slice %arg2[%dma_start3A_485, %dma_start3A_486] : memref<128x128xf32, #tpu.memory_space<hbm>> -> memref<1x128xf32, #tpu.memory_space<hbm>>
    %dma_start3A_488 = arith.constant 63261 : i32
    %dma_start3A_489 = arith.constant 0 : i32
    %dma_start3A_490 = tpu.memref_slice %arg1[%dma_start3A_488, %dma_start3A_489] : memref<100000x128xf32, #tpu.memory_space<hbm>> -> memref<1x128xf32, #tpu.memory_space<hbm>>
    tpu.enqueue_dma source(%dma_start3A_490 : memref<1x128xf32, #tpu.memory_space<hbm>>) target(%dma_start3A_487 : memref<1x128xf32, #tpu.memory_space<hbm>>) target_semaphore(%arg3 : memref<!tpu.dma_semaphore, #tpu.memory_space<semaphore_mem>>)
    %dma_start3A_491 = arith.constant 82 : i32
    %dma_start3A_492 = arith.constant 0 : i32
    %dma_start3A_493 = tpu.memref_slice %arg2[%dma_start3A_491, %dma_start3A_492] : memref<128x128xf32, #tpu.memory_space<hbm>> -> memref<1x128xf32, #tpu.memory_space<hbm>>
    %dma_start3A_494 = arith.constant 64042 : i32
    %dma_start3A_495 = arith.constant 0 : i32
    %dma_start3A_496 = tpu.memref_slice %arg1[%dma_start3A_494, %dma_start3A_495] : memref<100000x128xf32, #tpu.memory_space<hbm>> -> memref<1x128xf32, #tpu.memory_space<hbm>>
    tpu.enqueue_dma source(%dma_start3A_496 : memref<1x128xf32, #tpu.memory_space<hbm>>) target(%dma_start3A_493 : memref<1x128xf32, #tpu.memory_space<hbm>>) target_semaphore(%arg3 : memref<!tpu.dma_semaphore, #tpu.memory_space<semaphore_mem>>)
    %dma_start3A_497 = arith.constant 83 : i32
    %dma_start3A_498 = arith.constant 0 : i32
    %dma_start3A_499 = tpu.memref_slice %arg2[%dma_start3A_497, %dma_start3A_498] : memref<128x128xf32, #tpu.memory_space<hbm>> -> memref<1x128xf32, #tpu.memory_space<hbm>>
    %dma_start3A_500 = arith.constant 64823 : i32
    %dma_start3A_501 = arith.constant 0 : i32
    %dma_start3A_502 = tpu.memref_slice %arg1[%dma_start3A_500, %dma_start3A_501] : memref<100000x128xf32, #tpu.memory_space<hbm>> -> memref<1x128xf32, #tpu.memory_space<hbm>>
    tpu.enqueue_dma source(%dma_start3A_502 : memref<1x128xf32, #tpu.memory_space<hbm>>) target(%dma_start3A_499 : memref<1x128xf32, #tpu.memory_space<hbm>>) target_semaphore(%arg3 : memref<!tpu.dma_semaphore, #tpu.memory_space<semaphore_mem>>)
    %dma_start3A_503 = arith.constant 84 : i32
    %dma_start3A_504 = arith.constant 0 : i32
    %dma_start3A_505 = tpu.memref_slice %arg2[%dma_start3A_503, %dma_start3A_504] : memref<128x128xf32, #tpu.memory_space<hbm>> -> memref<1x128xf32, #tpu.memory_space<hbm>>
    %dma_start3A_506 = arith.constant 65604 : i32
    %dma_start3A_507 = arith.constant 0 : i32
    %dma_start3A_508 = tpu.memref_slice %arg1[%dma_start3A_506, %dma_start3A_507] : memref<100000x128xf32, #tpu.memory_space<hbm>> -> memref<1x128xf32, #tpu.memory_space<hbm>>
    tpu.enqueue_dma source(%dma_start3A_508 : memref<1x128xf32, #tpu.memory_space<hbm>>) target(%dma_start3A_505 : memref<1x128xf32, #tpu.memory_space<hbm>>) target_semaphore(%arg3 : memref<!tpu.dma_semaphore, #tpu.memory_space<semaphore_mem>>)
    %dma_start3A_509 = arith.constant 85 : i32
    %dma_start3A_510 = arith.constant 0 : i32
    %dma_start3A_511 = tpu.memref_slice %arg2[%dma_start3A_509, %dma_start3A_510] : memref<128x128xf32, #tpu.memory_space<hbm>> -> memref<1x128xf32, #tpu.memory_space<hbm>>
    %dma_start3A_512 = arith.constant 66385 : i32
    %dma_start3A_513 = arith.constant 0 : i32
    %dma_start3A_514 = tpu.memref_slice %arg1[%dma_start3A_512, %dma_start3A_513] : memref<100000x128xf32, #tpu.memory_space<hbm>> -> memref<1x128xf32, #tpu.memory_space<hbm>>
    tpu.enqueue_dma source(%dma_start3A_514 : memref<1x128xf32, #tpu.memory_space<hbm>>) target(%dma_start3A_511 : memref<1x128xf32, #tpu.memory_space<hbm>>) target_semaphore(%arg3 : memref<!tpu.dma_semaphore, #tpu.memory_space<semaphore_mem>>)
    %dma_start3A_515 = arith.constant 86 : i32
    %dma_start3A_516 = arith.constant 0 : i32
    %dma_start3A_517 = tpu.memref_slice %arg2[%dma_start3A_515, %dma_start3A_516] : memref<128x128xf32, #tpu.memory_space<hbm>> -> memref<1x128xf32, #tpu.memory_space<hbm>>
    %dma_start3A_518 = arith.constant 67166 : i32
    %dma_start3A_519 = arith.constant 0 : i32
    %dma_start3A_520 = tpu.memref_slice %arg1[%dma_start3A_518, %dma_start3A_519] : memref<100000x128xf32, #tpu.memory_space<hbm>> -> memref<1x128xf32, #tpu.memory_space<hbm>>
    tpu.enqueue_dma source(%dma_start3A_520 : memref<1x128xf32, #tpu.memory_space<hbm>>) target(%dma_start3A_517 : memref<1x128xf32, #tpu.memory_space<hbm>>) target_semaphore(%arg3 : memref<!tpu.dma_semaphore, #tpu.memory_space<semaphore_mem>>)
    %dma_start3A_521 = arith.constant 87 : i32
    %dma_start3A_522 = arith.constant 0 : i32
    %dma_start3A_523 = tpu.memref_slice %arg2[%dma_start3A_521, %dma_start3A_522] : memref<128x128xf32, #tpu.memory_space<hbm>> -> memref<1x128xf32, #tpu.memory_space<hbm>>
    %dma_start3A_524 = arith.constant 67947 : i32
    %dma_start3A_525 = arith.constant 0 : i32
    %dma_start3A_526 = tpu.memref_slice %arg1[%dma_start3A_524, %dma_start3A_525] : memref<100000x128xf32, #tpu.memory_space<hbm>> -> memref<1x128xf32, #tpu.memory_space<hbm>>
    tpu.enqueue_dma source(%dma_start3A_526 : memref<1x128xf32, #tpu.memory_space<hbm>>) target(%dma_start3A_523 : memref<1x128xf32, #tpu.memory_space<hbm>>) target_semaphore(%arg3 : memref<!tpu.dma_semaphore, #tpu.memory_space<semaphore_mem>>)
    %dma_start3A_527 = arith.constant 88 : i32
    %dma_start3A_528 = arith.constant 0 : i32
    %dma_start3A_529 = tpu.memref_slice %arg2[%dma_start3A_527, %dma_start3A_528] : memref<128x128xf32, #tpu.memory_space<hbm>> -> memref<1x128xf32, #tpu.memory_space<hbm>>
    %dma_start3A_530 = arith.constant 68728 : i32
    %dma_start3A_531 = arith.constant 0 : i32
    %dma_start3A_532 = tpu.memref_slice %arg1[%dma_start3A_530, %dma_start3A_531] : memref<100000x128xf32, #tpu.memory_space<hbm>> -> memref<1x128xf32, #tpu.memory_space<hbm>>
    tpu.enqueue_dma source(%dma_start3A_532 : memref<1x128xf32, #tpu.memory_space<hbm>>) target(%dma_start3A_529 : memref<1x128xf32, #tpu.memory_space<hbm>>) target_semaphore(%arg3 : memref<!tpu.dma_semaphore, #tpu.memory_space<semaphore_mem>>)
    %dma_start3A_533 = arith.constant 89 : i32
    %dma_start3A_534 = arith.constant 0 : i32
    %dma_start3A_535 = tpu.memref_slice %arg2[%dma_start3A_533, %dma_start3A_534] : memref<128x128xf32, #tpu.memory_space<hbm>> -> memref<1x128xf32, #tpu.memory_space<hbm>>
    %dma_start3A_536 = arith.constant 69509 : i32
    %dma_start3A_537 = arith.constant 0 : i32
    %dma_start3A_538 = tpu.memref_slice %arg1[%dma_start3A_536, %dma_start3A_537] : memref<100000x128xf32, #tpu.memory_space<hbm>> -> memref<1x128xf32, #tpu.memory_space<hbm>>
    tpu.enqueue_dma source(%dma_start3A_538 : memref<1x128xf32, #tpu.memory_space<hbm>>) target(%dma_start3A_535 : memref<1x128xf32, #tpu.memory_space<hbm>>) target_semaphore(%arg3 : memref<!tpu.dma_semaphore, #tpu.memory_space<semaphore_mem>>)
    %dma_start3A_539 = arith.constant 90 : i32
    %dma_start3A_540 = arith.constant 0 : i32
    %dma_start3A_541 = tpu.memref_slice %arg2[%dma_start3A_539, %dma_start3A_540] : memref<128x128xf32, #tpu.memory_space<hbm>> -> memref<1x128xf32, #tpu.memory_space<hbm>>
    %dma_start3A_542 = arith.constant 70290 : i32
    %dma_start3A_543 = arith.constant 0 : i32
    %dma_start3A_544 = tpu.memref_slice %arg1[%dma_start3A_542, %dma_start3A_543] : memref<100000x128xf32, #tpu.memory_space<hbm>> -> memref<1x128xf32, #tpu.memory_space<hbm>>
    tpu.enqueue_dma source(%dma_start3A_544 : memref<1x128xf32, #tpu.memory_space<hbm>>) target(%dma_start3A_541 : memref<1x128xf32, #tpu.memory_space<hbm>>) target_semaphore(%arg3 : memref<!tpu.dma_semaphore, #tpu.memory_space<semaphore_mem>>)
    %dma_start3A_545 = arith.constant 91 : i32
    %dma_start3A_546 = arith.constant 0 : i32
    %dma_start3A_547 = tpu.memref_slice %arg2[%dma_start3A_545, %dma_start3A_546] : memref<128x128xf32, #tpu.memory_space<hbm>> -> memref<1x128xf32, #tpu.memory_space<hbm>>
    %dma_start3A_548 = arith.constant 71071 : i32
    %dma_start3A_549 = arith.constant 0 : i32
    %dma_start3A_550 = tpu.memref_slice %arg1[%dma_start3A_548, %dma_start3A_549] : memref<100000x128xf32, #tpu.memory_space<hbm>> -> memref<1x128xf32, #tpu.memory_space<hbm>>
    tpu.enqueue_dma source(%dma_start3A_550 : memref<1x128xf32, #tpu.memory_space<hbm>>) target(%dma_start3A_547 : memref<1x128xf32, #tpu.memory_space<hbm>>) target_semaphore(%arg3 : memref<!tpu.dma_semaphore, #tpu.memory_space<semaphore_mem>>)
    %dma_start3A_551 = arith.constant 92 : i32
    %dma_start3A_552 = arith.constant 0 : i32
    %dma_start3A_553 = tpu.memref_slice %arg2[%dma_start3A_551, %dma_start3A_552] : memref<128x128xf32, #tpu.memory_space<hbm>> -> memref<1x128xf32, #tpu.memory_space<hbm>>
    %dma_start3A_554 = arith.constant 71852 : i32
    %dma_start3A_555 = arith.constant 0 : i32
    %dma_start3A_556 = tpu.memref_slice %arg1[%dma_start3A_554, %dma_start3A_555] : memref<100000x128xf32, #tpu.memory_space<hbm>> -> memref<1x128xf32, #tpu.memory_space<hbm>>
    tpu.enqueue_dma source(%dma_start3A_556 : memref<1x128xf32, #tpu.memory_space<hbm>>) target(%dma_start3A_553 : memref<1x128xf32, #tpu.memory_space<hbm>>) target_semaphore(%arg3 : memref<!tpu.dma_semaphore, #tpu.memory_space<semaphore_mem>>)
    %dma_start3A_557 = arith.constant 93 : i32
    %dma_start3A_558 = arith.constant 0 : i32
    %dma_start3A_559 = tpu.memref_slice %arg2[%dma_start3A_557, %dma_start3A_558] : memref<128x128xf32, #tpu.memory_space<hbm>> -> memref<1x128xf32, #tpu.memory_space<hbm>>
    %dma_start3A_560 = arith.constant 72633 : i32
    %dma_start3A_561 = arith.constant 0 : i32
    %dma_start3A_562 = tpu.memref_slice %arg1[%dma_start3A_560, %dma_start3A_561] : memref<100000x128xf32, #tpu.memory_space<hbm>> -> memref<1x128xf32, #tpu.memory_space<hbm>>
    tpu.enqueue_dma source(%dma_start3A_562 : memref<1x128xf32, #tpu.memory_space<hbm>>) target(%dma_start3A_559 : memref<1x128xf32, #tpu.memory_space<hbm>>) target_semaphore(%arg3 : memref<!tpu.dma_semaphore, #tpu.memory_space<semaphore_mem>>)
    %dma_start3A_563 = arith.constant 94 : i32
    %dma_start3A_564 = arith.constant 0 : i32
    %dma_start3A_565 = tpu.memref_slice %arg2[%dma_start3A_563, %dma_start3A_564] : memref<128x128xf32, #tpu.memory_space<hbm>> -> memref<1x128xf32, #tpu.memory_space<hbm>>
    %dma_start3A_566 = arith.constant 73414 : i32
    %dma_start3A_567 = arith.constant 0 : i32
    %dma_start3A_568 = tpu.memref_slice %arg1[%dma_start3A_566, %dma_start3A_567] : memref<100000x128xf32, #tpu.memory_space<hbm>> -> memref<1x128xf32, #tpu.memory_space<hbm>>
    tpu.enqueue_dma source(%dma_start3A_568 : memref<1x128xf32, #tpu.memory_space<hbm>>) target(%dma_start3A_565 : memref<1x128xf32, #tpu.memory_space<hbm>>) target_semaphore(%arg3 : memref<!tpu.dma_semaphore, #tpu.memory_space<semaphore_mem>>)
    %dma_start3A_569 = arith.constant 95 : i32
    %dma_start3A_570 = arith.constant 0 : i32
    %dma_start3A_571 = tpu.memref_slice %arg2[%dma_start3A_569, %dma_start3A_570] : memref<128x128xf32, #tpu.memory_space<hbm>> -> memref<1x128xf32, #tpu.memory_space<hbm>>
    %dma_start3A_572 = arith.constant 74195 : i32
    %dma_start3A_573 = arith.constant 0 : i32
    %dma_start3A_574 = tpu.memref_slice %arg1[%dma_start3A_572, %dma_start3A_573] : memref<100000x128xf32, #tpu.memory_space<hbm>> -> memref<1x128xf32, #tpu.memory_space<hbm>>
    tpu.enqueue_dma source(%dma_start3A_574 : memref<1x128xf32, #tpu.memory_space<hbm>>) target(%dma_start3A_571 : memref<1x128xf32, #tpu.memory_space<hbm>>) target_semaphore(%arg3 : memref<!tpu.dma_semaphore, #tpu.memory_space<semaphore_mem>>)
    %dma_start3A_575 = arith.constant 96 : i32
    %dma_start3A_576 = arith.constant 0 : i32
    %dma_start3A_577 = tpu.memref_slice %arg2[%dma_start3A_575, %dma_start3A_576] : memref<128x128xf32, #tpu.memory_space<hbm>> -> memref<1x128xf32, #tpu.memory_space<hbm>>
    %dma_start3A_578 = arith.constant 74976 : i32
    %dma_start3A_579 = arith.constant 0 : i32
    %dma_start3A_580 = tpu.memref_slice %arg1[%dma_start3A_578, %dma_start3A_579] : memref<100000x128xf32, #tpu.memory_space<hbm>> -> memref<1x128xf32, #tpu.memory_space<hbm>>
    tpu.enqueue_dma source(%dma_start3A_580 : memref<1x128xf32, #tpu.memory_space<hbm>>) target(%dma_start3A_577 : memref<1x128xf32, #tpu.memory_space<hbm>>) target_semaphore(%arg3 : memref<!tpu.dma_semaphore, #tpu.memory_space<semaphore_mem>>)
    %dma_start3A_581 = arith.constant 97 : i32
    %dma_start3A_582 = arith.constant 0 : i32
    %dma_start3A_583 = tpu.memref_slice %arg2[%dma_start3A_581, %dma_start3A_582] : memref<128x128xf32, #tpu.memory_space<hbm>> -> memref<1x128xf32, #tpu.memory_space<hbm>>
    %dma_start3A_584 = arith.constant 75757 : i32
    %dma_start3A_585 = arith.constant 0 : i32
    %dma_start3A_586 = tpu.memref_slice %arg1[%dma_start3A_584, %dma_start3A_585] : memref<100000x128xf32, #tpu.memory_space<hbm>> -> memref<1x128xf32, #tpu.memory_space<hbm>>
    tpu.enqueue_dma source(%dma_start3A_586 : memref<1x128xf32, #tpu.memory_space<hbm>>) target(%dma_start3A_583 : memref<1x128xf32, #tpu.memory_space<hbm>>) target_semaphore(%arg3 : memref<!tpu.dma_semaphore, #tpu.memory_space<semaphore_mem>>)
    %dma_start3A_587 = arith.constant 98 : i32
    %dma_start3A_588 = arith.constant 0 : i32
    %dma_start3A_589 = tpu.memref_slice %arg2[%dma_start3A_587, %dma_start3A_588] : memref<128x128xf32, #tpu.memory_space<hbm>> -> memref<1x128xf32, #tpu.memory_space<hbm>>
    %dma_start3A_590 = arith.constant 76538 : i32
    %dma_start3A_591 = arith.constant 0 : i32
    %dma_start3A_592 = tpu.memref_slice %arg1[%dma_start3A_590, %dma_start3A_591] : memref<100000x128xf32, #tpu.memory_space<hbm>> -> memref<1x128xf32, #tpu.memory_space<hbm>>
    tpu.enqueue_dma source(%dma_start3A_592 : memref<1x128xf32, #tpu.memory_space<hbm>>) target(%dma_start3A_589 : memref<1x128xf32, #tpu.memory_space<hbm>>) target_semaphore(%arg3 : memref<!tpu.dma_semaphore, #tpu.memory_space<semaphore_mem>>)
    %dma_start3A_593 = arith.constant 99 : i32
    %dma_start3A_594 = arith.constant 0 : i32
    %dma_start3A_595 = tpu.memref_slice %arg2[%dma_start3A_593, %dma_start3A_594] : memref<128x128xf32, #tpu.memory_space<hbm>> -> memref<1x128xf32, #tpu.memory_space<hbm>>
    %dma_start3A_596 = arith.constant 77319 : i32
    %dma_start3A_597 = arith.constant 0 : i32
    %dma_start3A_598 = tpu.memref_slice %arg1[%dma_start3A_596, %dma_start3A_597] : memref<100000x128xf32, #tpu.memory_space<hbm>> -> memref<1x128xf32, #tpu.memory_space<hbm>>
    tpu.enqueue_dma source(%dma_start3A_598 : memref<1x128xf32, #tpu.memory_space<hbm>>) target(%dma_start3A_595 : memref<1x128xf32, #tpu.memory_space<hbm>>) target_semaphore(%arg3 : memref<!tpu.dma_semaphore, #tpu.memory_space<semaphore_mem>>)
    %dma_start3A_599 = arith.constant 100 : i32
    %dma_start3A_600 = arith.constant 0 : i32
    %dma_start3A_601 = tpu.memref_slice %arg2[%dma_start3A_599, %dma_start3A_600] : memref<128x128xf32, #tpu.memory_space<hbm>> -> memref<1x128xf32, #tpu.memory_space<hbm>>
    %dma_start3A_602 = arith.constant 78100 : i32
    %dma_start3A_603 = arith.constant 0 : i32
    %dma_start3A_604 = tpu.memref_slice %arg1[%dma_start3A_602, %dma_start3A_603] : memref<100000x128xf32, #tpu.memory_space<hbm>> -> memref<1x128xf32, #tpu.memory_space<hbm>>
    tpu.enqueue_dma source(%dma_start3A_604 : memref<1x128xf32, #tpu.memory_space<hbm>>) target(%dma_start3A_601 : memref<1x128xf32, #tpu.memory_space<hbm>>) target_semaphore(%arg3 : memref<!tpu.dma_semaphore, #tpu.memory_space<semaphore_mem>>)
    %dma_start3A_605 = arith.constant 101 : i32
    %dma_start3A_606 = arith.constant 0 : i32
    %dma_start3A_607 = tpu.memref_slice %arg2[%dma_start3A_605, %dma_start3A_606] : memref<128x128xf32, #tpu.memory_space<hbm>> -> memref<1x128xf32, #tpu.memory_space<hbm>>
    %dma_start3A_608 = arith.constant 78881 : i32
    %dma_start3A_609 = arith.constant 0 : i32
    %dma_start3A_610 = tpu.memref_slice %arg1[%dma_start3A_608, %dma_start3A_609] : memref<100000x128xf32, #tpu.memory_space<hbm>> -> memref<1x128xf32, #tpu.memory_space<hbm>>
    tpu.enqueue_dma source(%dma_start3A_610 : memref<1x128xf32, #tpu.memory_space<hbm>>) target(%dma_start3A_607 : memref<1x128xf32, #tpu.memory_space<hbm>>) target_semaphore(%arg3 : memref<!tpu.dma_semaphore, #tpu.memory_space<semaphore_mem>>)
    %dma_start3A_611 = arith.constant 102 : i32
    %dma_start3A_612 = arith.constant 0 : i32
    %dma_start3A_613 = tpu.memref_slice %arg2[%dma_start3A_611, %dma_start3A_612] : memref<128x128xf32, #tpu.memory_space<hbm>> -> memref<1x128xf32, #tpu.memory_space<hbm>>
    %dma_start3A_614 = arith.constant 79662 : i32
    %dma_start3A_615 = arith.constant 0 : i32
    %dma_start3A_616 = tpu.memref_slice %arg1[%dma_start3A_614, %dma_start3A_615] : memref<100000x128xf32, #tpu.memory_space<hbm>> -> memref<1x128xf32, #tpu.memory_space<hbm>>
    tpu.enqueue_dma source(%dma_start3A_616 : memref<1x128xf32, #tpu.memory_space<hbm>>) target(%dma_start3A_613 : memref<1x128xf32, #tpu.memory_space<hbm>>) target_semaphore(%arg3 : memref<!tpu.dma_semaphore, #tpu.memory_space<semaphore_mem>>)
    %dma_start3A_617 = arith.constant 103 : i32
    %dma_start3A_618 = arith.constant 0 : i32
    %dma_start3A_619 = tpu.memref_slice %arg2[%dma_start3A_617, %dma_start3A_618] : memref<128x128xf32, #tpu.memory_space<hbm>> -> memref<1x128xf32, #tpu.memory_space<hbm>>
    %dma_start3A_620 = arith.constant 80443 : i32
    %dma_start3A_621 = arith.constant 0 : i32
    %dma_start3A_622 = tpu.memref_slice %arg1[%dma_start3A_620, %dma_start3A_621] : memref<100000x128xf32, #tpu.memory_space<hbm>> -> memref<1x128xf32, #tpu.memory_space<hbm>>
    tpu.enqueue_dma source(%dma_start3A_622 : memref<1x128xf32, #tpu.memory_space<hbm>>) target(%dma_start3A_619 : memref<1x128xf32, #tpu.memory_space<hbm>>) target_semaphore(%arg3 : memref<!tpu.dma_semaphore, #tpu.memory_space<semaphore_mem>>)
    %dma_start3A_623 = arith.constant 104 : i32
    %dma_start3A_624 = arith.constant 0 : i32
    %dma_start3A_625 = tpu.memref_slice %arg2[%dma_start3A_623, %dma_start3A_624] : memref<128x128xf32, #tpu.memory_space<hbm>> -> memref<1x128xf32, #tpu.memory_space<hbm>>
    %dma_start3A_626 = arith.constant 81224 : i32
    %dma_start3A_627 = arith.constant 0 : i32
    %dma_start3A_628 = tpu.memref_slice %arg1[%dma_start3A_626, %dma_start3A_627] : memref<100000x128xf32, #tpu.memory_space<hbm>> -> memref<1x128xf32, #tpu.memory_space<hbm>>
    tpu.enqueue_dma source(%dma_start3A_628 : memref<1x128xf32, #tpu.memory_space<hbm>>) target(%dma_start3A_625 : memref<1x128xf32, #tpu.memory_space<hbm>>) target_semaphore(%arg3 : memref<!tpu.dma_semaphore, #tpu.memory_space<semaphore_mem>>)
    %dma_start3A_629 = arith.constant 105 : i32
    %dma_start3A_630 = arith.constant 0 : i32
    %dma_start3A_631 = tpu.memref_slice %arg2[%dma_start3A_629, %dma_start3A_630] : memref<128x128xf32, #tpu.memory_space<hbm>> -> memref<1x128xf32, #tpu.memory_space<hbm>>
    %dma_start3A_632 = arith.constant 82005 : i32
    %dma_start3A_633 = arith.constant 0 : i32
    %dma_start3A_634 = tpu.memref_slice %arg1[%dma_start3A_632, %dma_start3A_633] : memref<100000x128xf32, #tpu.memory_space<hbm>> -> memref<1x128xf32, #tpu.memory_space<hbm>>
    tpu.enqueue_dma source(%dma_start3A_634 : memref<1x128xf32, #tpu.memory_space<hbm>>) target(%dma_start3A_631 : memref<1x128xf32, #tpu.memory_space<hbm>>) target_semaphore(%arg3 : memref<!tpu.dma_semaphore, #tpu.memory_space<semaphore_mem>>)
    %dma_start3A_635 = arith.constant 106 : i32
    %dma_start3A_636 = arith.constant 0 : i32
    %dma_start3A_637 = tpu.memref_slice %arg2[%dma_start3A_635, %dma_start3A_636] : memref<128x128xf32, #tpu.memory_space<hbm>> -> memref<1x128xf32, #tpu.memory_space<hbm>>
    %dma_start3A_638 = arith.constant 82786 : i32
    %dma_start3A_639 = arith.constant 0 : i32
    %dma_start3A_640 = tpu.memref_slice %arg1[%dma_start3A_638, %dma_start3A_639] : memref<100000x128xf32, #tpu.memory_space<hbm>> -> memref<1x128xf32, #tpu.memory_space<hbm>>
    tpu.enqueue_dma source(%dma_start3A_640 : memref<1x128xf32, #tpu.memory_space<hbm>>) target(%dma_start3A_637 : memref<1x128xf32, #tpu.memory_space<hbm>>) target_semaphore(%arg3 : memref<!tpu.dma_semaphore, #tpu.memory_space<semaphore_mem>>)
    %dma_start3A_641 = arith.constant 107 : i32
    %dma_start3A_642 = arith.constant 0 : i32
    %dma_start3A_643 = tpu.memref_slice %arg2[%dma_start3A_641, %dma_start3A_642] : memref<128x128xf32, #tpu.memory_space<hbm>> -> memref<1x128xf32, #tpu.memory_space<hbm>>
    %dma_start3A_644 = arith.constant 83567 : i32
    %dma_start3A_645 = arith.constant 0 : i32
    %dma_start3A_646 = tpu.memref_slice %arg1[%dma_start3A_644, %dma_start3A_645] : memref<100000x128xf32, #tpu.memory_space<hbm>> -> memref<1x128xf32, #tpu.memory_space<hbm>>
    tpu.enqueue_dma source(%dma_start3A_646 : memref<1x128xf32, #tpu.memory_space<hbm>>) target(%dma_start3A_643 : memref<1x128xf32, #tpu.memory_space<hbm>>) target_semaphore(%arg3 : memref<!tpu.dma_semaphore, #tpu.memory_space<semaphore_mem>>)
    %dma_start3A_647 = arith.constant 108 : i32
    %dma_start3A_648 = arith.constant 0 : i32
    %dma_start3A_649 = tpu.memref_slice %arg2[%dma_start3A_647, %dma_start3A_648] : memref<128x128xf32, #tpu.memory_space<hbm>> -> memref<1x128xf32, #tpu.memory_space<hbm>>
    %dma_start3A_650 = arith.constant 84348 : i32
    %dma_start3A_651 = arith.constant 0 : i32
    %dma_start3A_652 = tpu.memref_slice %arg1[%dma_start3A_650, %dma_start3A_651] : memref<100000x128xf32, #tpu.memory_space<hbm>> -> memref<1x128xf32, #tpu.memory_space<hbm>>
    tpu.enqueue_dma source(%dma_start3A_652 : memref<1x128xf32, #tpu.memory_space<hbm>>) target(%dma_start3A_649 : memref<1x128xf32, #tpu.memory_space<hbm>>) target_semaphore(%arg3 : memref<!tpu.dma_semaphore, #tpu.memory_space<semaphore_mem>>)
    %dma_start3A_653 = arith.constant 109 : i32
    %dma_start3A_654 = arith.constant 0 : i32
    %dma_start3A_655 = tpu.memref_slice %arg2[%dma_start3A_653, %dma_start3A_654] : memref<128x128xf32, #tpu.memory_space<hbm>> -> memref<1x128xf32, #tpu.memory_space<hbm>>
    %dma_start3A_656 = arith.constant 85129 : i32
    %dma_start3A_657 = arith.constant 0 : i32
    %dma_start3A_658 = tpu.memref_slice %arg1[%dma_start3A_656, %dma_start3A_657] : memref<100000x128xf32, #tpu.memory_space<hbm>> -> memref<1x128xf32, #tpu.memory_space<hbm>>
    tpu.enqueue_dma source(%dma_start3A_658 : memref<1x128xf32, #tpu.memory_space<hbm>>) target(%dma_start3A_655 : memref<1x128xf32, #tpu.memory_space<hbm>>) target_semaphore(%arg3 : memref<!tpu.dma_semaphore, #tpu.memory_space<semaphore_mem>>)
    %dma_start3A_659 = arith.constant 110 : i32
    %dma_start3A_660 = arith.constant 0 : i32
    %dma_start3A_661 = tpu.memref_slice %arg2[%dma_start3A_659, %dma_start3A_660] : memref<128x128xf32, #tpu.memory_space<hbm>> -> memref<1x128xf32, #tpu.memory_space<hbm>>
    %dma_start3A_662 = arith.constant 85910 : i32
    %dma_start3A_663 = arith.constant 0 : i32
    %dma_start3A_664 = tpu.memref_slice %arg1[%dma_start3A_662, %dma_start3A_663] : memref<100000x128xf32, #tpu.memory_space<hbm>> -> memref<1x128xf32, #tpu.memory_space<hbm>>
    tpu.enqueue_dma source(%dma_start3A_664 : memref<1x128xf32, #tpu.memory_space<hbm>>) target(%dma_start3A_661 : memref<1x128xf32, #tpu.memory_space<hbm>>) target_semaphore(%arg3 : memref<!tpu.dma_semaphore, #tpu.memory_space<semaphore_mem>>)
    %dma_start3A_665 = arith.constant 111 : i32
    %dma_start3A_666 = arith.constant 0 : i32
    %dma_start3A_667 = tpu.memref_slice %arg2[%dma_start3A_665, %dma_start3A_666] : memref<128x128xf32, #tpu.memory_space<hbm>> -> memref<1x128xf32, #tpu.memory_space<hbm>>
    %dma_start3A_668 = arith.constant 86691 : i32
    %dma_start3A_669 = arith.constant 0 : i32
    %dma_start3A_670 = tpu.memref_slice %arg1[%dma_start3A_668, %dma_start3A_669] : memref<100000x128xf32, #tpu.memory_space<hbm>> -> memref<1x128xf32, #tpu.memory_space<hbm>>
    tpu.enqueue_dma source(%dma_start3A_670 : memref<1x128xf32, #tpu.memory_space<hbm>>) target(%dma_start3A_667 : memref<1x128xf32, #tpu.memory_space<hbm>>) target_semaphore(%arg3 : memref<!tpu.dma_semaphore, #tpu.memory_space<semaphore_mem>>)
    %dma_start3A_671 = arith.constant 112 : i32
    %dma_start3A_672 = arith.constant 0 : i32
    %dma_start3A_673 = tpu.memref_slice %arg2[%dma_start3A_671, %dma_start3A_672] : memref<128x128xf32, #tpu.memory_space<hbm>> -> memref<1x128xf32, #tpu.memory_space<hbm>>
    %dma_start3A_674 = arith.constant 87472 : i32
    %dma_start3A_675 = arith.constant 0 : i32
    %dma_start3A_676 = tpu.memref_slice %arg1[%dma_start3A_674, %dma_start3A_675] : memref<100000x128xf32, #tpu.memory_space<hbm>> -> memref<1x128xf32, #tpu.memory_space<hbm>>
    tpu.enqueue_dma source(%dma_start3A_676 : memref<1x128xf32, #tpu.memory_space<hbm>>) target(%dma_start3A_673 : memref<1x128xf32, #tpu.memory_space<hbm>>) target_semaphore(%arg3 : memref<!tpu.dma_semaphore, #tpu.memory_space<semaphore_mem>>)
    %dma_start3A_677 = arith.constant 113 : i32
    %dma_start3A_678 = arith.constant 0 : i32
    %dma_start3A_679 = tpu.memref_slice %arg2[%dma_start3A_677, %dma_start3A_678] : memref<128x128xf32, #tpu.memory_space<hbm>> -> memref<1x128xf32, #tpu.memory_space<hbm>>
    %dma_start3A_680 = arith.constant 88253 : i32
    %dma_start3A_681 = arith.constant 0 : i32
    %dma_start3A_682 = tpu.memref_slice %arg1[%dma_start3A_680, %dma_start3A_681] : memref<100000x128xf32, #tpu.memory_space<hbm>> -> memref<1x128xf32, #tpu.memory_space<hbm>>
    tpu.enqueue_dma source(%dma_start3A_682 : memref<1x128xf32, #tpu.memory_space<hbm>>) target(%dma_start3A_679 : memref<1x128xf32, #tpu.memory_space<hbm>>) target_semaphore(%arg3 : memref<!tpu.dma_semaphore, #tpu.memory_space<semaphore_mem>>)
    %dma_start3A_683 = arith.constant 114 : i32
    %dma_start3A_684 = arith.constant 0 : i32
    %dma_start3A_685 = tpu.memref_slice %arg2[%dma_start3A_683, %dma_start3A_684] : memref<128x128xf32, #tpu.memory_space<hbm>> -> memref<1x128xf32, #tpu.memory_space<hbm>>
    %dma_start3A_686 = arith.constant 89034 : i32
    %dma_start3A_687 = arith.constant 0 : i32
    %dma_start3A_688 = tpu.memref_slice %arg1[%dma_start3A_686, %dma_start3A_687] : memref<100000x128xf32, #tpu.memory_space<hbm>> -> memref<1x128xf32, #tpu.memory_space<hbm>>
    tpu.enqueue_dma source(%dma_start3A_688 : memref<1x128xf32, #tpu.memory_space<hbm>>) target(%dma_start3A_685 : memref<1x128xf32, #tpu.memory_space<hbm>>) target_semaphore(%arg3 : memref<!tpu.dma_semaphore, #tpu.memory_space<semaphore_mem>>)
    %dma_start3A_689 = arith.constant 115 : i32
    %dma_start3A_690 = arith.constant 0 : i32
    %dma_start3A_691 = tpu.memref_slice %arg2[%dma_start3A_689, %dma_start3A_690] : memref<128x128xf32, #tpu.memory_space<hbm>> -> memref<1x128xf32, #tpu.memory_space<hbm>>
    %dma_start3A_692 = arith.constant 89815 : i32
    %dma_start3A_693 = arith.constant 0 : i32
    %dma_start3A_694 = tpu.memref_slice %arg1[%dma_start3A_692, %dma_start3A_693] : memref<100000x128xf32, #tpu.memory_space<hbm>> -> memref<1x128xf32, #tpu.memory_space<hbm>>
    tpu.enqueue_dma source(%dma_start3A_694 : memref<1x128xf32, #tpu.memory_space<hbm>>) target(%dma_start3A_691 : memref<1x128xf32, #tpu.memory_space<hbm>>) target_semaphore(%arg3 : memref<!tpu.dma_semaphore, #tpu.memory_space<semaphore_mem>>)
    %dma_start3A_695 = arith.constant 116 : i32
    %dma_start3A_696 = arith.constant 0 : i32
    %dma_start3A_697 = tpu.memref_slice %arg2[%dma_start3A_695, %dma_start3A_696] : memref<128x128xf32, #tpu.memory_space<hbm>> -> memref<1x128xf32, #tpu.memory_space<hbm>>
    %dma_start3A_698 = arith.constant 90596 : i32
    %dma_start3A_699 = arith.constant 0 : i32
    %dma_start3A_700 = tpu.memref_slice %arg1[%dma_start3A_698, %dma_start3A_699] : memref<100000x128xf32, #tpu.memory_space<hbm>> -> memref<1x128xf32, #tpu.memory_space<hbm>>
    tpu.enqueue_dma source(%dma_start3A_700 : memref<1x128xf32, #tpu.memory_space<hbm>>) target(%dma_start3A_697 : memref<1x128xf32, #tpu.memory_space<hbm>>) target_semaphore(%arg3 : memref<!tpu.dma_semaphore, #tpu.memory_space<semaphore_mem>>)
    %dma_start3A_701 = arith.constant 117 : i32
    %dma_start3A_702 = arith.constant 0 : i32
    %dma_start3A_703 = tpu.memref_slice %arg2[%dma_start3A_701, %dma_start3A_702] : memref<128x128xf32, #tpu.memory_space<hbm>> -> memref<1x128xf32, #tpu.memory_space<hbm>>
    %dma_start3A_704 = arith.constant 91377 : i32
    %dma_start3A_705 = arith.constant 0 : i32
    %dma_start3A_706 = tpu.memref_slice %arg1[%dma_start3A_704, %dma_start3A_705] : memref<100000x128xf32, #tpu.memory_space<hbm>> -> memref<1x128xf32, #tpu.memory_space<hbm>>
    tpu.enqueue_dma source(%dma_start3A_706 : memref<1x128xf32, #tpu.memory_space<hbm>>) target(%dma_start3A_703 : memref<1x128xf32, #tpu.memory_space<hbm>>) target_semaphore(%arg3 : memref<!tpu.dma_semaphore, #tpu.memory_space<semaphore_mem>>)
    %dma_start3A_707 = arith.constant 118 : i32
    %dma_start3A_708 = arith.constant 0 : i32
    %dma_start3A_709 = tpu.memref_slice %arg2[%dma_start3A_707, %dma_start3A_708] : memref<128x128xf32, #tpu.memory_space<hbm>> -> memref<1x128xf32, #tpu.memory_space<hbm>>
    %dma_start3A_710 = arith.constant 92158 : i32
    %dma_start3A_711 = arith.constant 0 : i32
    %dma_start3A_712 = tpu.memref_slice %arg1[%dma_start3A_710, %dma_start3A_711] : memref<100000x128xf32, #tpu.memory_space<hbm>> -> memref<1x128xf32, #tpu.memory_space<hbm>>
    tpu.enqueue_dma source(%dma_start3A_712 : memref<1x128xf32, #tpu.memory_space<hbm>>) target(%dma_start3A_709 : memref<1x128xf32, #tpu.memory_space<hbm>>) target_semaphore(%arg3 : memref<!tpu.dma_semaphore, #tpu.memory_space<semaphore_mem>>)
    %dma_start3A_713 = arith.constant 119 : i32
    %dma_start3A_714 = arith.constant 0 : i32
    %dma_start3A_715 = tpu.memref_slice %arg2[%dma_start3A_713, %dma_start3A_714] : memref<128x128xf32, #tpu.memory_space<hbm>> -> memref<1x128xf32, #tpu.memory_space<hbm>>
    %dma_start3A_716 = arith.constant 92939 : i32
    %dma_start3A_717 = arith.constant 0 : i32
    %dma_start3A_718 = tpu.memref_slice %arg1[%dma_start3A_716, %dma_start3A_717] : memref<100000x128xf32, #tpu.memory_space<hbm>> -> memref<1x128xf32, #tpu.memory_space<hbm>>
    tpu.enqueue_dma source(%dma_start3A_718 : memref<1x128xf32, #tpu.memory_space<hbm>>) target(%dma_start3A_715 : memref<1x128xf32, #tpu.memory_space<hbm>>) target_semaphore(%arg3 : memref<!tpu.dma_semaphore, #tpu.memory_space<semaphore_mem>>)
    %dma_start3A_719 = arith.constant 120 : i32
    %dma_start3A_720 = arith.constant 0 : i32
    %dma_start3A_721 = tpu.memref_slice %arg2[%dma_start3A_719, %dma_start3A_720] : memref<128x128xf32, #tpu.memory_space<hbm>> -> memref<1x128xf32, #tpu.memory_space<hbm>>
    %dma_start3A_722 = arith.constant 93720 : i32
    %dma_start3A_723 = arith.constant 0 : i32
    %dma_start3A_724 = tpu.memref_slice %arg1[%dma_start3A_722, %dma_start3A_723] : memref<100000x128xf32, #tpu.memory_space<hbm>> -> memref<1x128xf32, #tpu.memory_space<hbm>>
    tpu.enqueue_dma source(%dma_start3A_724 : memref<1x128xf32, #tpu.memory_space<hbm>>) target(%dma_start3A_721 : memref<1x128xf32, #tpu.memory_space<hbm>>) target_semaphore(%arg3 : memref<!tpu.dma_semaphore, #tpu.memory_space<semaphore_mem>>)
    %dma_start3A_725 = arith.constant 121 : i32
    %dma_start3A_726 = arith.constant 0 : i32
    %dma_start3A_727 = tpu.memref_slice %arg2[%dma_start3A_725, %dma_start3A_726] : memref<128x128xf32, #tpu.memory_space<hbm>> -> memref<1x128xf32, #tpu.memory_space<hbm>>
    %dma_start3A_728 = arith.constant 94501 : i32
    %dma_start3A_729 = arith.constant 0 : i32
    %dma_start3A_730 = tpu.memref_slice %arg1[%dma_start3A_728, %dma_start3A_729] : memref<100000x128xf32, #tpu.memory_space<hbm>> -> memref<1x128xf32, #tpu.memory_space<hbm>>
    tpu.enqueue_dma source(%dma_start3A_730 : memref<1x128xf32, #tpu.memory_space<hbm>>) target(%dma_start3A_727 : memref<1x128xf32, #tpu.memory_space<hbm>>) target_semaphore(%arg3 : memref<!tpu.dma_semaphore, #tpu.memory_space<semaphore_mem>>)
    %dma_start3A_731 = arith.constant 122 : i32
    %dma_start3A_732 = arith.constant 0 : i32
    %dma_start3A_733 = tpu.memref_slice %arg2[%dma_start3A_731, %dma_start3A_732] : memref<128x128xf32, #tpu.memory_space<hbm>> -> memref<1x128xf32, #tpu.memory_space<hbm>>
    %dma_start3A_734 = arith.constant 95282 : i32
    %dma_start3A_735 = arith.constant 0 : i32
    %dma_start3A_736 = tpu.memref_slice %arg1[%dma_start3A_734, %dma_start3A_735] : memref<100000x128xf32, #tpu.memory_space<hbm>> -> memref<1x128xf32, #tpu.memory_space<hbm>>
    tpu.enqueue_dma source(%dma_start3A_736 : memref<1x128xf32, #tpu.memory_space<hbm>>) target(%dma_start3A_733 : memref<1x128xf32, #tpu.memory_space<hbm>>) target_semaphore(%arg3 : memref<!tpu.dma_semaphore, #tpu.memory_space<semaphore_mem>>)
    %dma_start3A_737 = arith.constant 123 : i32
    %dma_start3A_738 = arith.constant 0 : i32
    %dma_start3A_739 = tpu.memref_slice %arg2[%dma_start3A_737, %dma_start3A_738] : memref<128x128xf32, #tpu.memory_space<hbm>> -> memref<1x128xf32, #tpu.memory_space<hbm>>
    %dma_start3A_740 = arith.constant 96063 : i32
    %dma_start3A_741 = arith.constant 0 : i32
    %dma_start3A_742 = tpu.memref_slice %arg1[%dma_start3A_740, %dma_start3A_741] : memref<100000x128xf32, #tpu.memory_space<hbm>> -> memref<1x128xf32, #tpu.memory_space<hbm>>
    tpu.enqueue_dma source(%dma_start3A_742 : memref<1x128xf32, #tpu.memory_space<hbm>>) target(%dma_start3A_739 : memref<1x128xf32, #tpu.memory_space<hbm>>) target_semaphore(%arg3 : memref<!tpu.dma_semaphore, #tpu.memory_space<semaphore_mem>>)
    %dma_start3A_743 = arith.constant 124 : i32
    %dma_start3A_744 = arith.constant 0 : i32
    %dma_start3A_745 = tpu.memref_slice %arg2[%dma_start3A_743, %dma_start3A_744] : memref<128x128xf32, #tpu.memory_space<hbm>> -> memref<1x128xf32, #tpu.memory_space<hbm>>
    %dma_start3A_746 = arith.constant 96844 : i32
    %dma_start3A_747 = arith.constant 0 : i32
    %dma_start3A_748 = tpu.memref_slice %arg1[%dma_start3A_746, %dma_start3A_747] : memref<100000x128xf32, #tpu.memory_space<hbm>> -> memref<1x128xf32, #tpu.memory_space<hbm>>
    tpu.enqueue_dma source(%dma_start3A_748 : memref<1x128xf32, #tpu.memory_space<hbm>>) target(%dma_start3A_745 : memref<1x128xf32, #tpu.memory_space<hbm>>) target_semaphore(%arg3 : memref<!tpu.dma_semaphore, #tpu.memory_space<semaphore_mem>>)
    %dma_start3A_749 = arith.constant 125 : i32
    %dma_start3A_750 = arith.constant 0 : i32
    %dma_start3A_751 = tpu.memref_slice %arg2[%dma_start3A_749, %dma_start3A_750] : memref<128x128xf32, #tpu.memory_space<hbm>> -> memref<1x128xf32, #tpu.memory_space<hbm>>
    %dma_start3A_752 = arith.constant 97625 : i32
    %dma_start3A_753 = arith.constant 0 : i32
    %dma_start3A_754 = tpu.memref_slice %arg1[%dma_start3A_752, %dma_start3A_753] : memref<100000x128xf32, #tpu.memory_space<hbm>> -> memref<1x128xf32, #tpu.memory_space<hbm>>
    tpu.enqueue_dma source(%dma_start3A_754 : memref<1x128xf32, #tpu.memory_space<hbm>>) target(%dma_start3A_751 : memref<1x128xf32, #tpu.memory_space<hbm>>) target_semaphore(%arg3 : memref<!tpu.dma_semaphore, #tpu.memory_space<semaphore_mem>>)
    %dma_start3A_755 = arith.constant 126 : i32
    %dma_start3A_756 = arith.constant 0 : i32
    %dma_start3A_757 = tpu.memref_slice %arg2[%dma_start3A_755, %dma_start3A_756] : memref<128x128xf32, #tpu.memory_space<hbm>> -> memref<1x128xf32, #tpu.memory_space<hbm>>
    %dma_start3A_758 = arith.constant 98406 : i32
    %dma_start3A_759 = arith.constant 0 : i32
    %dma_start3A_760 = tpu.memref_slice %arg1[%dma_start3A_758, %dma_start3A_759] : memref<100000x128xf32, #tpu.memory_space<hbm>> -> memref<1x128xf32, #tpu.memory_space<hbm>>
    tpu.enqueue_dma source(%dma_start3A_760 : memref<1x128xf32, #tpu.memory_space<hbm>>) target(%dma_start3A_757 : memref<1x128xf32, #tpu.memory_space<hbm>>) target_semaphore(%arg3 : memref<!tpu.dma_semaphore, #tpu.memory_space<semaphore_mem>>)
    %dma_start3A_761 = arith.constant 127 : i32
    %dma_start3A_762 = arith.constant 0 : i32
    %dma_start3A_763 = tpu.memref_slice %arg2[%dma_start3A_761, %dma_start3A_762] : memref<128x128xf32, #tpu.memory_space<hbm>> -> memref<1x128xf32, #tpu.memory_space<hbm>>
    %dma_start3A_764 = arith.constant 99187 : i32
    %dma_start3A_765 = arith.constant 0 : i32
    %dma_start3A_766 = tpu.memref_slice %arg1[%dma_start3A_764, %dma_start3A_765] : memref<100000x128xf32, #tpu.memory_space<hbm>> -> memref<1x128xf32, #tpu.memory_space<hbm>>
    tpu.enqueue_dma source(%dma_start3A_766 : memref<1x128xf32, #tpu.memory_space<hbm>>) target(%dma_start3A_763 : memref<1x128xf32, #tpu.memory_space<hbm>>) target_semaphore(%arg3 : memref<!tpu.dma_semaphore, #tpu.memory_space<semaphore_mem>>)
    return
  }
}

</mosaic_0001>

<sc_bundles>
// kernel: kernel.3.cloned.1.call-start
scs
__scs_entry_jumppad:
0x0: {  	(pc) =	sbr.rel $0x88, $3  }
0x1: {  	(tag) =	ssettag $0x0;
	lr =	simm.s32 $0x1  }
0x2: {  	[smem:$0x3FA0] =	sst lr;
	_ =	strace $0xD0000000  }
0x3: {  	_ = 	snop  }
0x4: {  	_ = 	snop  }
0x5: {  	_ = 	snop  }
0x6: {  	_ = 	snop  }
0x7: {  	_ = 	snop  }
__scs_overlays_trampoline_lowered:
0x8: {  	[smem:$0x3FAF] =	sst s0  }
0x9: {  	[smem:$0x3FB0] =	sst s1  }
0xa: {  	[smem:$0x3FB1] =	sst s2  }
0xb: {  	[smem:$0x3FB2] =	sst s3  }
0xc: {  	[smem:$0x3FB3] =	sst s4  }
0xd: {  	[smem:$0x3FB4] =	sst s5  }
0xe: {  	[smem:$0x3FB5] =	sst s6  }
0xf: {  	[smem:$0x3FB6] =	sst s7  }
0x10: {  	[smem:$0x3FB7] =	sst s8  }
0x11: {  	[smem:$0x3FB8] =	sst s9;
	s0 =	simm.s32 @!p0 $0x0  }
0x12: {  	s1 =	sld [smem:$0x3F9E];
	s0 =	simm.s32 @p0 $0x1  }
0x13: {  	[smem:$0x3FB9] =	sst s0;
	s0 =	simm.s32 @!p1 $0x0  }
0x14: {  	s2 =	sld [smem:$0x3F9D];
	s0 =	simm.s32 @p1 $0x1  }
0x15: {  	[smem:$0x3FBA] =	sst s0;
	s0 =	simm.s32 @!p2 $0x0  }
0x16: {  	s3 =	sld [smem:$0x3FDB];
	s0 =	simm.s32 @p2 $0x1  }
0x17: {  	s4 =	simm.s32 $0x1BF5;
	[smem:$0x3FBC] =	sst s0  }
0x18: {  	s0 =	sld [smem:$0x3F9F];
	_ =	swait.ge [sflag:s4], $0x0  }
0x19: {  	s7 =	sld [smem:$0x3FA0]  }
0x1a: {  	s8 =	sadd.s32 $0xFFFFE003, lr  }
0x1b: {  	s9 =	sadd.s32 $0xFFFFFEF7, lr;
	s5 =	simm.s32 $0xFFFFFFFF;
	p2 =	slt.u32 s8, $0xFFFFF086  }
0x1c: {  	p1 =	slt.u32 s9, $0xF7A;
	s5 =	simm.s32 @!p2 $0x0  }
0x1d: {  	s5 =	simm.s32 @p1 $0x1;
	p0 =	seq.s32 s7, s2  }
0x1e: {  	s7 =	smul.u32 @!p0 $0xF7A, s2;
	p2 =	seq.s32 @!p0 s5, $0x0  }
0x1f: {  	s9 =	smul.u32 $0xF7A, s1;
	s8 =	simm.s32 @!p0 $0x1BF5;
	p2 =	por !p2, p0  }
0x20: {  	[sflag:s8] =	ssyncset.s32 @!p0 $0xFFFFF086;
	s6 =	sadd.s32 @!p0 s3, s7;
	s7 =	simm.s32 @!p0 $0x108  }
0x21: {  	s3 =	sadd.s32 s3, s9;
	s6 =	sadd.s32 @!p0 $0x88, s6;
	s7 =	simm.s32 @p2 $0x1082  }
0x22: {  	[simem:s7], [sflag:s8] =	dma.local @!p0 [hbm:s6], $0xF7A  }
0x23: {  	s9 =	sor.u32 $0xD0000000, s2;
	s6 =	simm.s32 $0x108;
	_ =	swait.ge @!p0 [sflag:s8], $0x0  }
0x24: {  	s3 =	sadd.s32 $0x88, s3;
	s6 =	simm.s32 @!p1 $0x1082;
	[sflag:s4] =	ssyncset.s32 $0xFFFFF086  }
0x25: {  	[simem:s6], [sflag:s4] =	dma.local [hbm:s3], $0xF7A  }
0x26: {  	[smem:$0x3FA0] =	sst s1;
	(tag) =	ssettag s2;
	_ =	strace s9  }
0x27: {  	s1 =	sld [smem:$0x3FB0]  }
0x28: {  	s2 =	sld [smem:$0x3FB1]  }
0x29: {  	s4 =	sld [smem:$0x3FB3]  }
0x2a: {  	p0 =	seq.s32 s5, $0x0;
	s5 =	sld [smem:$0x3FB4]  }
0x2b: {  	s6 =	sld [smem:$0x3FB5]  }
0x2c: {  	s7 =	sld [smem:$0x3FB6]  }
0x2d: {  	s3 =	simm.s32 $0x108;
	s8 =	sld [smem:$0x3FB7]  }
0x2e: {  	s3 =	simm.s32 @!p0 $0x1082;
	s9 =	sld [smem:$0x3FB8]  }
0x2f: {  	lr =	sadd.s32 s0, s3;
	s0 =	sld [smem:$0x3FAF]  }
0x30: {  	s3 =	sld [smem:$0x3FB2]  }
0x31: {  	[smem:$0x3FBB] =	sst s10  }
0x32: {  	s10 =	sld [smem:$0x3FB9];
	_ =	sdelay $0x3  }
0x33: {  	p0 =	seq.s32 s10, $0x1;
	s10 =	sld [smem:$0x3FBB];
	_ =	sdelay $0x3  }
0x34: {  	[smem:$0x3FBB] =	sst s10  }
0x35: {  	s10 =	sld [smem:$0x3FBA];
	_ =	sdelay $0x3  }
0x36: {  	p1 =	seq.s32 s10, $0x1;
	s10 =	sld [smem:$0x3FBB];
	_ =	sdelay $0x3  }
0x37: {  	[smem:$0x3FBB] =	sst s10  }
0x38: {  	s10 =	sld [smem:$0x3FBC]  }
0x39: {  	_ = 	snop;
	(pc) =	sbr.ind lr, $3  }
0x3a: {  	_ = 	snop  }
0x3b: {  	_ = 	snop  }
0x3c: {  	p2 =	seq.s32 s10, $0x1;
	s10 =	sld [smem:$0x3FBB]  }
0x3d: {  	_ =	shalt  }
0x3e: {  	_ =	shalt  }
0x3f: {  	_ =	shalt  }
0x40: {  	_ =	shalt  }
0x41: {  	_ =	shalt  }
0x42: {  	_ =	shalt  }
0x43: {  	_ =	shalt  }
0x44: {  	_ =	shalt  }
0x45: {  	_ =	shalt  }
0x46: {  	_ =	shalt  }
0x47: {  	_ =	shalt  }
0x48: {  	_ =	shalt  }
0x49: {  	_ =	shalt  }
0x4a: {  	_ =	shalt  }
0x4b: {  	_ =	shalt  }
0x4c: {  	_ =	shalt  }
0x4d: {  	_ =	shalt  }
0x4e: {  	_ =	shalt  }
0x4f: {  	_ =	shalt  }
0x50: {  	_ =	shalt  }
0x51: {  	_ =	shalt  }
0x52: {  	_ =	shalt  }
0x53: {  	_ =	shalt  }
0x54: {  	_ =	shalt  }
0x55: {  	_ =	shalt  }
0x56: {  	_ =	shalt  }
0x57: {  	_ =	shalt  }
0x58: {  	_ =	shalt  }
0x59: {  	_ =	shalt  }
0x5a: {  	_ =	shalt  }
0x5b: {  	_ =	shalt  }
0x5c: {  	_ =	shalt  }
0x5d: {  	_ =	shalt  }
0x5e: {  	_ =	shalt  }
0x5f: {  	_ =	shalt  }
0x60: {  	_ =	shalt  }
0x61: {  	_ =	shalt  }
0x62: {  	_ =	shalt  }
0x63: {  	_ =	shalt  }
0x64: {  	_ =	shalt  }
0x65: {  	_ =	shalt  }
0x66: {  	_ =	shalt  }
0x67: {  	_ =	shalt  }
0x68: {  	_ =	shalt  }
0x69: {  	_ =	shalt  }
0x6a: {  	_ =	shalt  }
0x6b: {  	_ =	shalt  }
0x6c: {  	_ =	shalt  }
0x6d: {  	_ =	shalt  }
0x6e: {  	_ =	shalt  }
0x6f: {  	_ =	shalt  }
0x70: {  	_ =	shalt  }
0x71: {  	_ =	shalt  }
0x72: {  	_ =	shalt  }
0x73: {  	_ =	shalt  }
0x74: {  	_ =	shalt  }
0x75: {  	_ =	shalt  }
0x76: {  	_ =	shalt  }
0x77: {  	_ =	shalt  }
0x78: {  	_ =	shalt  }
0x79: {  	_ =	shalt  }
0x7a: {  	_ =	shalt  }
0x7b: {  	_ =	shalt  }
0x7c: {  	_ =	shalt  }
0x7d: {  	_ =	shalt  }
0x7e: {  	_ =	shalt  }
0x7f: {  	_ =	shalt  }
0x80: {  	_ =	shalt  }
0x81: {  	_ =	shalt  }
0x82: {  	_ =	shalt  }
0x83: {  	_ =	shalt  }
0x84: {  	_ =	shalt  }
0x85: {  	_ =	shalt  }
0x86: {  	_ =	shalt  }
0x87: {  	_ =	shalt  }
.Lfunc_end0:
.L_simem_size_0:
called_computation_lowered:
.L_overlay_start_0:
0x88: {  	s0 =	sld [smem:$0x3FD9]  }
0x89: {  	s1 =	sld [smem:$0x3FFE];
	_ =	sdelay $0x3  }
0x8a: {  	s0 =	sadd.s32 s1, s0  }
0x8b: {  	s2 =	simm.s32 $0x0;
	[smem:$0x3FC7] =	sst s0  }
0x8c: {  	[smem:$0xF] =	sst s2  }
0x8d: {  	s0 =	sld [smem:$0x3FC9]  }
0x8e: {  	s1 =	sld [smem:$0x3FD0];
	(tm) =	ssettm $0x1  }
0x8f: {  	s8 =	sld [smem:$0x3FFB];
	_ =	sdelay $0x3  }
0x90: {  	_ =	strace s8  }
0x91: {  	s2 =	sld [smem:$0x3FFC];
	_ =	sdelay $0x1  }
0x92: {  	s9 =	simm.s32 $0x1B8B  }
0x93: {  	s10 =	simm.s32 $0x1B8E;
	s3 =	sadd.s32 $0x30D0, s0;
	s4 =	sadd.s32 $0x10, s1  }
0x94: {  	s11 =	sadd.s32 $0x61A0, s0;
	s12 =	sadd.s32 $0x20, s1;
	_ =	strace s2  }
0x95: {  	s13 =	sadd.s32 $0x9270, s0;
	s14 =	sadd.s32 $0x30, s1;
	s2 =	sld [smem:$0x3FFD]  }
0x96: {  	s15 =	sadd.s32 $0xC340, s0;
	s16 =	sadd.s32 $0x40, s1;
	s17 =	sadd.s32 $0xF410, s0  }
0x97: {  	s18 =	sadd.s32 $0x50, s1;
	s19 =	sadd.s32 $0x124E0, s0;
	s20 =	sadd.s32 $0x60, s1  }
0x98: {  	s21 =	sadd.s32 $0x155B0, s0;
	s22 =	sadd.s32 $0x70, s1;
	s23 =	sadd.s32 $0x18680, s0  }
0x99: {  	s24 =	sadd.s32 $0x80, s1;
	s25 =	sadd.s32 $0x1B750, s0;
	_ =	strace s2  }
0x9a: {  	s26 =	sadd.s32 $0x90, s1;
	s28 =	sadd.s32 $0x1E820, s0;
	_ =	strace $0x8FFFFFFF  }
0x9b: {  	s29 =	sadd.s32 $0xA0, s1;
	s30 =	sadd.s32 $0x218F0, s0;
	_ =	swait.ge [sflag:s9], $0x1  }
0x9c: {  	s31 =	sadd.s32 $0xB0, s1;
	s5 =	sadd.s32 $0x249C0, s0;
	[sflag:s9] =	ssyncset.done $0x0  }
0x9d: {  	s6 =	sadd.s32 $0xC0, s1;
	s7 =	sadd.s32 $0x27A90, s0;
	[sflag:s9] =	ssyncadd.s32 $0xFFFFFFFF  }
0x9e: {  	s8 =	sadd.s32 $0xD0, s1;
	s2 =	simm.s32 $0x9;
	[smem:$0x3FD2] =	sst s10  }
0x9f: {  	s9 =	sadd.s32 $0x2AB60, s0;
	s10 =	sadd.s32 $0xE0, s1;
	_ =	strace $0x80000046  }
0xa0: {  	[hbm:s1], [sflag:s2] =	dma.local [hbm:s0], $0x10  }
0xa1: {  	[hbm:s4], [sflag:s2] =	dma.local [hbm:s3], $0x10  }
0xa2: {  	[hbm:s12], [sflag:s2] =	dma.local [hbm:s11], $0x10  }
0xa3: {  	[hbm:s14], [sflag:s2] =	dma.local [hbm:s13], $0x10  }
0xa4: {  	s11 =	sadd.s32 $0x2DC30, s0;
	s12 =	sadd.s32 $0xF0, s1;
	s13 =	sadd.s32 $0x30D00, s0  }
0xa5: {  	[hbm:s16], [sflag:s2] =	dma.local [hbm:s15], $0x10  }
0xa6: {  	s14 =	sadd.s32 $0x100, s1;
	s15 =	sadd.s32 $0x33DD0, s0;
	s16 =	sadd.s32 $0x110, s1  }
0xa7: {  	[hbm:s18], [sflag:s2] =	dma.local [hbm:s17], $0x10  }
0xa8: {  	[hbm:s20], [sflag:s2] =	dma.local [hbm:s19], $0x10  }
0xa9: {  	s17 =	sadd.s32 $0x36EA0, s0;
	s18 =	sadd.s32 $0x120, s1;
	s19 =	sadd.s32 $0x39F70, s0  }
0xaa: {  	[hbm:s22], [sflag:s2] =	dma.local [hbm:s21], $0x10  }
0xab: {  	s20 =	sadd.s32 $0x130, s1;
	s21 =	sadd.s32 $0x3D040, s0;
	s22 =	sadd.s32 $0x140, s1  }
0xac: {  	[hbm:s24], [sflag:s2] =	dma.local [hbm:s23], $0x10  }
0xad: {  	[hbm:s26], [sflag:s2] =	dma.local [hbm:s25], $0x10  }
0xae: {  	s23 =	sadd.s32 $0x40110, s0;
	s24 =	sadd.s32 $0x150, s1;
	s25 =	sadd.s32 $0x431E0, s0  }
0xaf: {  	[hbm:s29], [sflag:s2] =	dma.local [hbm:s28], $0x10  }
0xb0: {  	s26 =	sadd.s32 $0x160, s1;
	s28 =	sadd.s32 $0x462B0, s0;
	s29 =	sadd.s32 $0x170, s1  }
0xb1: {  	[hbm:s31], [sflag:s2] =	dma.local [hbm:s30], $0x10  }
0xb2: {  	[hbm:s6], [sflag:s2] =	dma.local [hbm:s5], $0x10  }
0xb3: {  	s30 =	sadd.s32 $0x49380, s0;
	s31 =	sadd.s32 $0x180, s1;
	s5 =	sadd.s32 $0x4C450, s0  }
0xb4: {  	[hbm:s8], [sflag:s2] =	dma.local [hbm:s7], $0x10  }
0xb5: {  	s6 =	sadd.s32 $0x190, s1;
	s7 =	sadd.s32 $0x4F520, s0;
	s8 =	sadd.s32 $0x1A0, s1  }
0xb6: {  	[hbm:s10], [sflag:s2] =	dma.local [hbm:s9], $0x10  }
0xb7: {  	[hbm:s12], [sflag:s2] =	dma.local [hbm:s11], $0x10  }
0xb8: {  	s9 =	sadd.s32 $0x525F0, s0;
	s10 =	sadd.s32 $0x1B0, s1;
	s11 =	sadd.s32 $0x556C0, s0  }
0xb9: {  	[hbm:s14], [sflag:s2] =	dma.local [hbm:s13], $0x10  }
0xba: {  	s12 =	sadd.s32 $0x1C0, s1;
	s13 =	sadd.s32 $0x58790, s0;
	s14 =	sadd.s32 $0x1D0, s1  }
0xbb: {  	[hbm:s16], [sflag:s2] =	dma.local [hbm:s15], $0x10  }
0xbc: {  	[hbm:s18], [sflag:s2] =	dma.local [hbm:s17], $0x10  }
0xbd: {  	s15 =	sadd.s32 $0x5B860, s0;
	s16 =	sadd.s32 $0x1E0, s1;
	s17 =	sadd.s32 $0x5E930, s0  }
0xbe: {  	[hbm:s20], [sflag:s2] =	dma.local [hbm:s19], $0x10  }
0xbf: {  	s18 =	sadd.s32 $0x1F0, s1;
	s19 =	sadd.s32 $0x61A00, s0;
	s20 =	sadd.s32 $0x200, s1  }
0xc0: {  	[hbm:s22], [sflag:s2] =	dma.local [hbm:s21], $0x10  }
0xc1: {  	[hbm:s24], [sflag:s2] =	dma.local [hbm:s23], $0x10  }
0xc2: {  	s21 =	sadd.s32 $0x64AD0, s0;
	s22 =	sadd.s32 $0x210, s1;
	s23 =	sadd.s32 $0x67BA0, s0  }
0xc3: {  	[hbm:s26], [sflag:s2] =	dma.local [hbm:s25], $0x10  }
0xc4: {  	s24 =	sadd.s32 $0x220, s1;
	s25 =	sadd.s32 $0x6AC70, s0;
	s26 =	sadd.s32 $0x230, s1  }
0xc5: {  	[hbm:s29], [sflag:s2] =	dma.local [hbm:s28], $0x10  }
0xc6: {  	[hbm:s31], [sflag:s2] =	dma.local [hbm:s30], $0x10  }
0xc7: {  	s28 =	sadd.s32 $0x6DD40, s0;
	s29 =	sadd.s32 $0x240, s1;
	s30 =	sadd.s32 $0x70E10, s0  }
0xc8: {  	[hbm:s6], [sflag:s2] =	dma.local [hbm:s5], $0x10  }
0xc9: {  	s31 =	sadd.s32 $0x250, s1;
	s5 =	sadd.s32 $0x73EE0, s0;
	s6 =	sadd.s32 $0x260, s1  }
0xca: {  	[hbm:s8], [sflag:s2] =	dma.local [hbm:s7], $0x10  }
0xcb: {  	[hbm:s10], [sflag:s2] =	dma.local [hbm:s9], $0x10  }
0xcc: {  	s7 =	sadd.s32 $0x76FB0, s0;
	s8 =	sadd.s32 $0x270, s1;
	s9 =	sadd.s32 $0x7A080, s0  }
0xcd: {  	[hbm:s12], [sflag:s2] =	dma.local [hbm:s11], $0x10  }
0xce: {  	s10 =	sadd.s32 $0x280, s1;
	s11 =	sadd.s32 $0x7D150, s0;
	s12 =	sadd.s32 $0x290, s1  }
0xcf: {  	[hbm:s14], [sflag:s2] =	dma.local [hbm:s13], $0x10  }
0xd0: {  	[hbm:s16], [sflag:s2] =	dma.local [hbm:s15], $0x10  }
0xd1: {  	s13 =	sadd.s32 $0x80220, s0;
	s14 =	sadd.s32 $0x2A0, s1;
	s15 =	sadd.s32 $0x832F0, s0  }
0xd2: {  	[hbm:s18], [sflag:s2] =	dma.local [hbm:s17], $0x10  }
0xd3: {  	s16 =	sadd.s32 $0x2B0, s1;
	s17 =	sadd.s32 $0x863C0, s0;
	s18 =	sadd.s32 $0x2C0, s1  }
0xd4: {  	[hbm:s20], [sflag:s2] =	dma.local [hbm:s19], $0x10  }
0xd5: {  	[hbm:s22], [sflag:s2] =	dma.local [hbm:s21], $0x10  }
0xd6: {  	s19 =	sadd.s32 $0x89490, s0;
	s20 =	sadd.s32 $0x2D0, s1;
	s21 =	sadd.s32 $0x8C560, s0  }
0xd7: {  	[hbm:s24], [sflag:s2] =	dma.local [hbm:s23], $0x10  }
0xd8: {  	s22 =	sadd.s32 $0x2E0, s1;
	s23 =	sadd.s32 $0x8F630, s0;
	s24 =	sadd.s32 $0x2F0, s1  }
0xd9: {  	[hbm:s26], [sflag:s2] =	dma.local [hbm:s25], $0x10  }
0xda: {  	[hbm:s29], [sflag:s2] =	dma.local [hbm:s28], $0x10  }
0xdb: {  	s25 =	sadd.s32 $0x92700, s0;
	s26 =	sadd.s32 $0x300, s1;
	s28 =	sadd.s32 $0x957D0, s0  }
0xdc: {  	[hbm:s31], [sflag:s2] =	dma.local [hbm:s30], $0x10  }
0xdd: {  	s29 =	sadd.s32 $0x310, s1;
	s30 =	sadd.s32 $0x988A0, s0;
	s31 =	sadd.s32 $0x320, s1  }
0xde: {  	[hbm:s6], [sflag:s2] =	dma.local [hbm:s5], $0x10  }
0xdf: {  	[hbm:s8], [sflag:s2] =	dma.local [hbm:s7], $0x10  }
0xe0: {  	s5 =	sadd.s32 $0x9B970, s0;
	s6 =	sadd.s32 $0x330, s1;
	s7 =	sadd.s32 $0x9EA40, s0  }
0xe1: {  	[hbm:s10], [sflag:s2] =	dma.local [hbm:s9], $0x10  }
0xe2: {  	s8 =	sadd.s32 $0x340, s1;
	s9 =	sadd.s32 $0xA1B10, s0;
	s10 =	sadd.s32 $0x350, s1  }
0xe3: {  	[hbm:s12], [sflag:s2] =	dma.local [hbm:s11], $0x10  }
0xe4: {  	[hbm:s14], [sflag:s2] =	dma.local [hbm:s13], $0x10  }
0xe5: {  	s11 =	sadd.s32 $0xA4BE0, s0;
	s12 =	sadd.s32 $0x360, s1;
	s13 =	sadd.s32 $0xA7CB0, s0  }
0xe6: {  	[hbm:s16], [sflag:s2] =	dma.local [hbm:s15], $0x10  }
0xe7: {  	s14 =	sadd.s32 $0x370, s1;
	s15 =	sadd.s32 $0xAAD80, s0;
	s16 =	sadd.s32 $0x380, s1  }
0xe8: {  	[hbm:s18], [sflag:s2] =	dma.local [hbm:s17], $0x10  }
0xe9: {  	[hbm:s20], [sflag:s2] =	dma.local [hbm:s19], $0x10  }
0xea: {  	s17 =	sadd.s32 $0xADE50, s0;
	s18 =	sadd.s32 $0x390, s1;
	s19 =	sadd.s32 $0xB0F20, s0  }
0xeb: {  	[hbm:s22], [sflag:s2] =	dma.local [hbm:s21], $0x10  }
0xec: {  	s20 =	sadd.s32 $0x3A0, s1;
	s21 =	sadd.s32 $0xB3FF0, s0;
	s22 =	sadd.s32 $0x3B0, s1  }
0xed: {  	[hbm:s24], [sflag:s2] =	dma.local [hbm:s23], $0x10  }
0xee: {  	[hbm:s26], [sflag:s2] =	dma.local [hbm:s25], $0x10  }
0xef: {  	s23 =	sadd.s32 $0xB70C0, s0;
	s24 =	sadd.s32 $0x3C0, s1;
	s25 =	sadd.s32 $0xBA190, s0  }
0xf0: {  	[hbm:s29], [sflag:s2] =	dma.local [hbm:s28], $0x10  }
0xf1: {  	s26 =	sadd.s32 $0x3D0, s1;
	s28 =	sadd.s32 $0xBD260, s0;
	s29 =	sadd.s32 $0x3E0, s1  }
0xf2: {  	[hbm:s31], [sflag:s2] =	dma.local [hbm:s30], $0x10  }
0xf3: {  	[hbm:s6], [sflag:s2] =	dma.local [hbm:s5], $0x10  }
0xf4: {  	s30 =	sadd.s32 $0xC0330, s0;
	s31 =	sadd.s32 $0x3F0, s1;
	s5 =	sadd.s32 $0xC3400, s0  }
0xf5: {  	[hbm:s8], [sflag:s2] =	dma.local [hbm:s7], $0x10  }
0xf6: {  	s6 =	sadd.s32 $0x400, s1;
	s7 =	sadd.s32 $0xC64D0, s0;
	s8 =	sadd.s32 $0x410, s1  }
0xf7: {  	[hbm:s10], [sflag:s2] =	dma.local [hbm:s9], $0x10  }
0xf8: {  	[hbm:s12], [sflag:s2] =	dma.local [hbm:s11], $0x10  }
0xf9: {  	s9 =	sadd.s32 $0xC95A0, s0;
	s10 =	sadd.s32 $0x420, s1;
	s11 =	sadd.s32 $0xCC670, s0  }
0xfa: {  	[hbm:s14], [sflag:s2] =	dma.local [hbm:s13], $0x10  }
0xfb: {  	s12 =	sadd.s32 $0x430, s1;
	s13 =	sadd.s32 $0xCF740, s0;
	s14 =	sadd.s32 $0x440, s1  }
0xfc: {  	[hbm:s16], [sflag:s2] =	dma.local [hbm:s15], $0x10  }
0xfd: {  	[hbm:s18], [sflag:s2] =	dma.local [hbm:s17], $0x10  }
0xfe: {  	s15 =	sadd.s32 $0xD2810, s0;
	s16 =	sadd.s32 $0x450, s1;
	s17 =	sadd.s32 $0xD58E0, s0  }
0xff: {  	[hbm:s20], [sflag:s2] =	dma.local [hbm:s19], $0x10  }
0x100: {  	s18 =	sadd.s32 $0x460, s1;
	s19 =	sadd.s32 $0xD89B0, s0;
	s20 =	sadd.s32 $0x470, s1  }
0x101: {  	[hbm:s22], [sflag:s2] =	dma.local [hbm:s21], $0x10  }
0x102: {  	[hbm:s24], [sflag:s2] =	dma.local [hbm:s23], $0x10  }
0x103: {  	s21 =	sadd.s32 $0xDBA80, s0;
	s22 =	sadd.s32 $0x480, s1;
	s23 =	sadd.s32 $0xDEB50, s0  }
0x104: {  	[hbm:s26], [sflag:s2] =	dma.local [hbm:s25], $0x10  }
0x105: {  	s24 =	sadd.s32 $0x490, s1;
	s25 =	sadd.s32 $0xE1C20, s0;
	s26 =	sadd.s32 $0x4A0, s1  }
0x106: {  	[hbm:s29], [sflag:s2] =	dma.local [hbm:s28], $0x10  }
0x107: {  	[hbm:s31], [sflag:s2] =	dma.local [hbm:s30], $0x10  }
0x108: {  	s28 =	sadd.s32 $0xE4CF0, s0;
	s29 =	sadd.s32 $0x4B0, s1;
	s30 =	sadd.s32 $0xE7DC0, s0  }
0x109: {  	[hbm:s6], [sflag:s2] =	dma.local [hbm:s5], $0x10  }
0x10a: {  	s31 =	sadd.s32 $0x4C0, s1;
	s5 =	sadd.s32 $0xEAE90, s0;
	s6 =	sadd.s32 $0x4D0, s1  }
0x10b: {  	[hbm:s8], [sflag:s2] =	dma.local [hbm:s7], $0x10  }
0x10c: {  	[hbm:s10], [sflag:s2] =	dma.local [hbm:s9], $0x10  }
0x10d: {  	s7 =	sadd.s32 $0xEDF60, s0;
	s8 =	sadd.s32 $0x4E0, s1;
	s9 =	sadd.s32 $0xF1030, s0  }
0x10e: {  	[hbm:s12], [sflag:s2] =	dma.local [hbm:s11], $0x10  }
0x10f: {  	s10 =	sadd.s32 $0x4F0, s1;
	s11 =	sadd.s32 $0xF4100, s0;
	s12 =	sadd.s32 $0x500, s1  }
0x110: {  	[hbm:s14], [sflag:s2] =	dma.local [hbm:s13], $0x10  }
0x111: {  	[hbm:s16], [sflag:s2] =	dma.local [hbm:s15], $0x10  }
0x112: {  	s13 =	sadd.s32 $0xF71D0, s0;
	s14 =	sadd.s32 $0x510, s1;
	s15 =	sadd.s32 $0xFA2A0, s0  }
0x113: {  	[hbm:s18], [sflag:s2] =	dma.local [hbm:s17], $0x10  }
0x114: {  	s16 =	sadd.s32 $0x520, s1;
	s17 =	sadd.s32 $0xFD370, s0;
	s18 =	sadd.s32 $0x530, s1  }
0x115: {  	[hbm:s20], [sflag:s2] =	dma.local [hbm:s19], $0x10  }
0x116: {  	[hbm:s22], [sflag:s2] =	dma.local [hbm:s21], $0x10  }
0x117: {  	s19 =	sadd.s32 $0x100440, s0;
	s21 =	sadd.s32 $0x103510, s0  }
0x118: {  	[hbm:s24], [sflag:s2] =	dma.local [hbm:s23], $0x10  }
0x119: {  	s20 =	sadd.s32 $0x540, s1;
	s22 =	sadd.s32 $0x550, s1;
	s23 =	sadd.s32 $0x1065E0, s0  }
0x11a: {  	[hbm:s26], [sflag:s2] =	dma.local [hbm:s25], $0x10  }
0x11b: {  	s24 =	sadd.s32 $0x560, s1;
	s25 =	sadd.s32 $0x1096B0, s0;
	s26 =	sadd.s32 $0x570, s1  }
0x11c: {  	[hbm:s29], [sflag:s2] =	dma.local [hbm:s28], $0x10  }
0x11d: {  	[hbm:s31], [sflag:s2] =	dma.local [hbm:s30], $0x10  }
0x11e: {  	s28 =	sadd.s32 $0x10C780, s0;
	s30 =	sadd.s32 $0x10F850, s0  }
0x11f: {  	[hbm:s6], [sflag:s2] =	dma.local [hbm:s5], $0x10  }
0x120: {  	s29 =	sadd.s32 $0x580, s1;
	s31 =	sadd.s32 $0x590, s1;
	s5 =	sadd.s32 $0x112920, s0  }
0x121: {  	[hbm:s8], [sflag:s2] =	dma.local [hbm:s7], $0x10  }
0x122: {  	s6 =	sadd.s32 $0x5A0, s1;
	s7 =	sadd.s32 $0x1159F0, s0;
	s8 =	sadd.s32 $0x5B0, s1  }
0x123: {  	[hbm:s10], [sflag:s2] =	dma.local [hbm:s9], $0x10  }
0x124: {  	[hbm:s12], [sflag:s2] =	dma.local [hbm:s11], $0x10  }
0x125: {  	s9 =	sadd.s32 $0x118AC0, s0;
	s11 =	sadd.s32 $0x11BB90, s0  }
0x126: {  	[hbm:s14], [sflag:s2] =	dma.local [hbm:s13], $0x10  }
0x127: {  	s10 =	sadd.s32 $0x5C0, s1;
	s12 =	sadd.s32 $0x5D0, s1;
	s13 =	sadd.s32 $0x11EC60, s0  }
0x128: {  	[hbm:s16], [sflag:s2] =	dma.local [hbm:s15], $0x10  }
0x129: {  	s14 =	sadd.s32 $0x5E0, s1;
	s15 =	sadd.s32 $0x121D30, s0;
	s16 =	sadd.s32 $0x5F0, s1  }
0x12a: {  	[hbm:s18], [sflag:s2] =	dma.local [hbm:s17], $0x10  }
0x12b: {  	[hbm:s20], [sflag:s2] =	dma.local [hbm:s19], $0x10  }
0x12c: {  	s17 =	sadd.s32 $0x124E00, s0;
	s19 =	sadd.s32 $0x127ED0, s0  }
0x12d: {  	[hbm:s22], [sflag:s2] =	dma.local [hbm:s21], $0x10  }
0x12e: {  	s18 =	sadd.s32 $0x600, s1;
	s20 =	sadd.s32 $0x610, s1;
	s21 =	sadd.s32 $0x12AFA0, s0  }
0x12f: {  	[hbm:s24], [sflag:s2] =	dma.local [hbm:s23], $0x10  }
0x130: {  	s22 =	sadd.s32 $0x620, s1;
	s23 =	sadd.s32 $0x12E070, s0;
	s24 =	sadd.s32 $0x630, s1  }
0x131: {  	[hbm:s26], [sflag:s2] =	dma.local [hbm:s25], $0x10  }
0x132: {  	[hbm:s29], [sflag:s2] =	dma.local [hbm:s28], $0x10  }
0x133: {  	s25 =	sadd.s32 $0x131140, s0;
	s28 =	sadd.s32 $0x134210, s0  }
0x134: {  	[hbm:s31], [sflag:s2] =	dma.local [hbm:s30], $0x10  }
0x135: {  	s26 =	sadd.s32 $0x640, s1;
	s29 =	sadd.s32 $0x650, s1;
	s30 =	sadd.s32 $0x1372E0, s0  }
0x136: {  	[hbm:s6], [sflag:s2] =	dma.local [hbm:s5], $0x10  }
0x137: {  	s31 =	sadd.s32 $0x660, s1;
	s5 =	sadd.s32 $0x13A3B0, s0;
	s6 =	sadd.s32 $0x670, s1  }
0x138: {  	[hbm:s8], [sflag:s2] =	dma.local [hbm:s7], $0x10  }
0x139: {  	[hbm:s10], [sflag:s2] =	dma.local [hbm:s9], $0x10  }
0x13a: {  	s7 =	sadd.s32 $0x13D480, s0;
	s9 =	sadd.s32 $0x140550, s0  }
0x13b: {  	[hbm:s12], [sflag:s2] =	dma.local [hbm:s11], $0x10  }
0x13c: {  	s8 =	sadd.s32 $0x680, s1;
	s10 =	sadd.s32 $0x690, s1;
	s11 =	sadd.s32 $0x143620, s0  }
0x13d: {  	[hbm:s14], [sflag:s2] =	dma.local [hbm:s13], $0x10  }
0x13e: {  	s12 =	sadd.s32 $0x6A0, s1;
	s13 =	sadd.s32 $0x1466F0, s0;
	s14 =	sadd.s32 $0x6B0, s1  }
0x13f: {  	[hbm:s16], [sflag:s2] =	dma.local [hbm:s15], $0x10  }
0x140: {  	[hbm:s18], [sflag:s2] =	dma.local [hbm:s17], $0x10  }
0x141: {  	s15 =	sadd.s32 $0x1497C0, s0;
	s17 =	sadd.s32 $0x14C890, s0  }
0x142: {  	[hbm:s20], [sflag:s2] =	dma.local [hbm:s19], $0x10  }
0x143: {  	s16 =	sadd.s32 $0x6C0, s1;
	s18 =	sadd.s32 $0x6D0, s1;
	s19 =	sadd.s32 $0x14F960, s0  }
0x144: {  	[hbm:s22], [sflag:s2] =	dma.local [hbm:s21], $0x10  }
0x145: {  	s20 =	sadd.s32 $0x6E0, s1;
	s21 =	sadd.s32 $0x152A30, s0;
	s22 =	sadd.s32 $0x6F0, s1  }
0x146: {  	[hbm:s24], [sflag:s2] =	dma.local [hbm:s23], $0x10  }
0x147: {  	[hbm:s26], [sflag:s2] =	dma.local [hbm:s25], $0x10  }
0x148: {  	s23 =	sadd.s32 $0x155B00, s0;
	s25 =	sadd.s32 $0x158BD0, s0  }
0x149: {  	[hbm:s29], [sflag:s2] =	dma.local [hbm:s28], $0x10  }
0x14a: {  	s24 =	sadd.s32 $0x700, s1;
	s26 =	sadd.s32 $0x710, s1;
	s28 =	sadd.s32 $0x15BCA0, s0  }
0x14b: {  	[hbm:s31], [sflag:s2] =	dma.local [hbm:s30], $0x10  }
0x14c: {  	s29 =	sadd.s32 $0x720, s1;
	s30 =	sadd.s32 $0x15ED70, s0;
	s31 =	sadd.s32 $0x730, s1  }
0x14d: {  	[hbm:s6], [sflag:s2] =	dma.local [hbm:s5], $0x10  }
0x14e: {  	[hbm:s8], [sflag:s2] =	dma.local [hbm:s7], $0x10  }
0x14f: {  	s5 =	sadd.s32 $0x161E40, s0;
	s7 =	sadd.s32 $0x164F10, s0  }
0x150: {  	[hbm:s10], [sflag:s2] =	dma.local [hbm:s9], $0x10  }
0x151: {  	s6 =	sadd.s32 $0x740, s1;
	s8 =	sadd.s32 $0x750, s1;
	s9 =	sadd.s32 $0x167FE0, s0  }
0x152: {  	[hbm:s12], [sflag:s2] =	dma.local [hbm:s11], $0x10  }
0x153: {  	s10 =	sadd.s32 $0x760, s1;
	s11 =	sadd.s32 $0x16B0B0, s0;
	s12 =	sadd.s32 $0x770, s1  }
0x154: {  	[hbm:s14], [sflag:s2] =	dma.local [hbm:s13], $0x10  }
0x155: {  	[hbm:s16], [sflag:s2] =	dma.local [hbm:s15], $0x10  }
0x156: {  	s13 =	sadd.s32 $0x16E180, s0;
	s15 =	sadd.s32 $0x171250, s0  }
0x157: {  	[hbm:s18], [sflag:s2] =	dma.local [hbm:s17], $0x10  }
0x158: {  	s14 =	sadd.s32 $0x780, s1;
	s16 =	sadd.s32 $0x790, s1;
	s17 =	sadd.s32 $0x174320, s0  }
0x159: {  	[hbm:s20], [sflag:s2] =	dma.local [hbm:s19], $0x10  }
0x15a: {  	s18 =	sadd.s32 $0x7A0, s1;
	s19 =	sadd.s32 $0x1773F0, s0;
	s20 =	sadd.s32 $0x7B0, s1  }
0x15b: {  	[hbm:s22], [sflag:s2] =	dma.local [hbm:s21], $0x10  }
0x15c: {  	[hbm:s24], [sflag:s2] =	dma.local [hbm:s23], $0x10  }
0x15d: {  	s21 =	sadd.s32 $0x17A4C0, s0;
	s23 =	sadd.s32 $0x17D590, s0  }
0x15e: {  	[hbm:s26], [sflag:s2] =	dma.local [hbm:s25], $0x10  }
0x15f: {  	s22 =	sadd.s32 $0x7C0, s1;
	s24 =	sadd.s32 $0x7D0, s1;
	s25 =	sadd.s32 $0x180660, s0  }
0x160: {  	s26 =	sadd.s32 $0x7E0, s1;
	s0 =	sadd.s32 $0x183730, s0;
	s1 =	sadd.s32 $0x7F0, s1  }
0x161: {  	[hbm:s29], [sflag:s2] =	dma.local [hbm:s28], $0x10  }
0x162: {  	[hbm:s31], [sflag:s2] =	dma.local [hbm:s30], $0x10  }
0x163: {  	[hbm:s6], [sflag:s2] =	dma.local [hbm:s5], $0x10  }
0x164: {  	[hbm:s8], [sflag:s2] =	dma.local [hbm:s7], $0x10  }
0x165: {  	[hbm:s10], [sflag:s2] =	dma.local [hbm:s9], $0x10  }
0x166: {  	[hbm:s12], [sflag:s2] =	dma.local [hbm:s11], $0x10  }
0x167: {  	[hbm:s14], [sflag:s2] =	dma.local [hbm:s13], $0x10  }
0x168: {  	[hbm:s16], [sflag:s2] =	dma.local [hbm:s15], $0x10  }
0x169: {  	[hbm:s18], [sflag:s2] =	dma.local [hbm:s17], $0x10  }
0x16a: {  	[hbm:s20], [sflag:s2] =	dma.local [hbm:s19], $0x10  }
0x16b: {  	[hbm:s22], [sflag:s2] =	dma.local [hbm:s21], $0x10  }
0x16c: {  	[hbm:s24], [sflag:s2] =	dma.local [hbm:s23], $0x10  }
0x16d: {  	[hbm:s26], [sflag:s2] =	dma.local [hbm:s25], $0x10  }
0x16e: {  	[hbm:s1], [sflag:s2] =	dma.local [hbm:s0], $0x10  }
0x16f: {  	_ =	strace $0x90000046  }
0x170: {  	_ =	sfence  }
0x171: {  	s28 =	sld [smem:$0x0];
	_ =	sdelay $0x1  }
0x172: {  	s29 =	srdreg.scid  }
0x173: {  	s30 =	sshll.u32 s29, $0xD;
	s31 =	sshrl.u32 s29, $0x2  }
0x174: {  	s1 =	sand.u32 $0x1, s29;
	s2 =	sand.u32 $0x4000, s30;
	s0 =	sadd.s32 s31, s28  }
0x175: {  	s1 =	sor.u32 s2, s1;
	s0 =	sshll.u32 s0, $0x11  }
0x176: {  	s0 =	sor.u32 s0, s1  }
0x177: {  	s0 =	sadd.s32 $0x8F2B, s0;
	(pc) =	sbr.abs _section_cstart, $3  }
0x178: {  	[sflag:s0] =	ssyncadd.remote.s32 $0x1  }
0x179: {  	_ =	strace $0x9FFFFFFF  }
0x17a: {  	(tm) =	ssettm $0x7FFFFFFF  }
0x17b: {  	_ =	shalt  }

</sc_bundles>
